<compile_context>
chip_gen: v7x
topology: tpu7x:2x2x1
jax: 0.10.2.dev20260603
libtpu: 0.0.44.dev20260713+nightly
codegen_flags: <defaults>
</compile_context>

<pallas_src>
import functools

import jax
import jax.numpy as jnp
import numpy as np
from jax import lax
from jax.experimental import pallas as pl
from jax.experimental.pallas import tpu as pltpu
from jax.experimental.pallas import tpu_sc as plsc

N_CLASSES = 90
N_LEVELS = 5
IMG = 512
MIN_LVL = 3
A_SCALE = 4.0
N_SCALES = 3
ASP = [(1.0, 1.0), (1.4, 0.7), (0.7, 1.4)]
N_TOP = 5000
N_DET = 100
IOU_T = 0.5
NB = 8
NP_PAD = 5000
N_ANCH = 49104

_NC = 2
_NS = 16
_NW = _NC * _NS
G_TOT = NB * N_TOP
G_PAD = 40960
G_PER_W = G_PAD // _NW
G_CHUNK = 128
G_NCH = G_PER_W // G_CHUNK


def _anchor_table():
    all_boxes = []
    for level in range(MIN_LVL, MIN_LVL + N_LEVELS):
        stride = 2 ** level
        feat = IMG // stride
        yc = (np.arange(feat) + 0.5) * stride
        xc = (np.arange(feat) + 0.5) * stride
        yv, xv = np.meshgrid(yc, xc, indexing='ij')
        yv = yv.reshape(-1)
        xv = xv.reshape(-1)
        per_cfg = []
        for octave in range(N_SCALES):
            scale = 2.0 ** (octave / float(N_SCALES))
            base = A_SCALE * stride * scale
            for ay, ax in ASP:
                h2 = base * ay / 2.0
                w2 = base * ax / 2.0
                per_cfg.append(
                    np.stack([yv - h2, xv - w2, yv + h2, xv + w2], axis=1)[:, None, :])
        all_boxes.append(np.concatenate(per_cfg, axis=1).reshape(-1, 4))
    return np.concatenate(all_boxes, axis=0).astype(np.float32)

_ANCH = _anchor_table()



def _sc_gather_body(b0, b1, b2, b3, a0, a1, a2, a3, bidx, aidx,
                    o0, o1, o2, o3, o4, o5, o6, o7,
                    bidx_v, aidx_v, v0, v1, v2, v3, v4, v5, v6, v7,
                    bsem, asem):
    wid = lax.axis_index("s") * _NC + lax.axis_index("c")
    base = wid * G_PER_W
    pltpu.sync_copy(bidx.at[wid], bidx_v)
    pltpu.sync_copy(aidx.at[wid], aidx_v)
    btabs = [b0, b1, b2, b3]
    atabs = [a0, a1, a2, a3]
    bvals = [v0, v1, v2, v3]
    avals = [v4, v5, v6, v7]

    def chunk(j, _):
        sl = pl.ds(j * G_CHUNK, G_CHUNK)
        waits = []
        for t in range(4):
            waits.append(
                pltpu.async_copy(btabs[t].at[bidx_v.at[j]], bvals[t].at[sl], bsem))
            waits.append(
                pltpu.async_copy(atabs[t].at[aidx_v.at[j]], avals[t].at[sl], asem))
        for wct in waits:
            wct.wait()
        return 0

    lax.fori_loop(0, G_NCH, chunk, 0)
    outs = [o0, o1, o2, o3, o4, o5, o6, o7]
    for t in range(8):
        pltpu.sync_copy((bvals + avals)[t], outs[t].at[pl.ds(base, G_PER_W)])


_SC_OUT = tuple(jax.ShapeDtypeStruct((G_PAD,), jnp.float32) for _ in range(8))


@functools.lru_cache(maxsize=1)
def _sc_gather_fn():
    return functools.partial(
        pl.kernel,
        mesh=plsc.VectorSubcoreMesh(core_axis_name="c", subcore_axis_name="s"),
        out_type=_SC_OUT,
        scratch_types=[
            pltpu.VMEM((G_NCH, G_CHUNK), jnp.int32),
            pltpu.VMEM((G_NCH, G_CHUNK), jnp.int32),
        ] + [pltpu.VMEM((G_PER_W,), jnp.float32)] * 8 + [
            pltpu.SemaphoreType.DMA,
            pltpu.SemaphoreType.DMA,
        ],
    )(_sc_gather_body)



_AM_CHUNK = 1024
N_SPLIT = 3
SUB = N_CLASSES // N_SPLIT
N_SUBBLK = N_ANCH * N_SPLIT


def _amax_body(x_ref, o_ref):
    x = x_ref[...]
    parts = [jnp.max(x[:, :, j * SUB:(j + 1) * SUB], axis=2) for j in range(N_SPLIT)]
    o_ref[...] = jnp.stack(parts, axis=1)


def _anchor_max(cls_nhwc):
    grid = (pl.cdiv(N_ANCH, _AM_CHUNK),)
    return pl.pallas_call(
        _amax_body,
        grid=grid,
        in_specs=[pl.BlockSpec((NB, _AM_CHUNK, N_CLASSES), lambda i: (0, i, 0))],
        out_specs=pl.BlockSpec((NB, N_SPLIT, _AM_CHUNK), lambda i: (0, 0, i)),
        out_shape=jax.ShapeDtypeStruct((NB, N_SPLIT, N_ANCH), jnp.float32),
    )(cls_nhwc)




def _nms_body(ty_ref, tx_ref, th_ref, tw_ref,
              ay1_ref, ax1_ref, ay2_ref, ax2_ref,
              logit_ref, cls_ref, scale_ref, out_ref):
    ty = ty_ref[...]
    tx = tx_ref[...]
    th = th_ref[...]
    tw = tw_ref[...]
    ay1 = ay1_ref[...]
    ax1 = ax1_ref[...]
    ay2 = ay2_ref[...]
    ax2 = ax2_ref[...]
    clsf = cls_ref[...]

    yca = (ay1 + ay2) * 0.5
    xca = (ax1 + ax2) * 0.5
    ha = ay2 - ay1
    wa = ax2 - ax1
    h = jnp.exp(th) * ha
    w = jnp.exp(tw) * wa
    yc = ty * ha + yca
    xc = tx * wa + xca
    by1 = yc - h * 0.5
    bx1 = xc - w * 0.5
    by2 = yc + h * 0.5
    bx2 = xc + w * 0.5

    lane = jax.lax.broadcasted_iota(jnp.int32, (NB, NP_PAD), 1)
    valid = lane < N_TOP
    scores0 = jnp.where(valid, jax.nn.sigmoid(logit_ref[...]), -1e30)

    off = clsf * 1e4
    oy1 = by1 + off
    ox1 = bx1 + off
    oy2 = by2 + off
    ox2 = bx2 + off
    area_o = (oy2 - oy1) * (ox2 - ox1)
    scale = scale_ref[...]

    def step(i, scores):
        m = jnp.max(scores, axis=1, keepdims=True)
        cand = jnp.where(scores == m, lane, NP_PAD)
        bidx = jnp.min(cand, axis=1, keepdims=True)
        sel = lane == bidx

        def pick(a):
            return jnp.sum(jnp.where(sel, a, 0.0), axis=1, keepdims=True)

        b_oy1 = pick(oy1)
        b_ox1 = pick(ox1)
        b_oy2 = pick(oy2)
        b_ox2 = pick(ox2)
        ya = jnp.maximum(b_oy1, oy1)
        xa = jnp.maximum(b_ox1, ox1)
        yb = jnp.minimum(b_oy2, oy2)
        xb = jnp.minimum(b_ox2, ox2)
        inter = jnp.maximum(yb - ya, 0.0) * jnp.maximum(xb - xa, 0.0)
        a1 = (b_oy2 - b_oy1) * (b_ox2 - b_ox1)
        iou = inter / (a1 + area_o - inter + 1e-8)

        b_score = pick(scores)
        det = jnp.concatenate([
            pick(by1) * scale, pick(bx1) * scale,
            pick(by2) * scale, pick(bx2) * scale,
            b_score, pick(clsf) + 1.0,
        ], axis=1)
        out_ref[:, pl.ds(i, 1), :] = det[:, None, :]

        scores = jnp.where(iou > IOU_T, -1.0, scores)
        return jnp.where(sel, -1.0, scores)

    jax.lax.fori_loop(0, N_DET, step, scores0)


@jax.jit
def kernel(cls_p3, cls_p4, cls_p5, cls_p6, cls_p7,
           box_p3, box_p4, box_p5, box_p6, box_p7, image_scales):
    cls_list = [cls_p3, cls_p4, cls_p5, cls_p6, cls_p7]
    box_list = [box_p3, box_p4, box_p5, box_p6, box_p7]
    b = cls_p3.shape[0]
    cls_nhwc = jnp.concatenate(
        [jnp.transpose(c, (0, 2, 3, 1)).reshape(b, -1, N_CLASSES) for c in cls_list],
        axis=1)
    amax = _anchor_max(cls_nhwc)
    msub = jnp.transpose(amax, (0, 2, 1)).reshape(b, N_SUBBLK)
    _, sidq = jax.lax.top_k(msub, N_TOP)
    sid = jnp.sort(sidq, axis=1)
    cls_sub = cls_nhwc.reshape(b, N_SUBBLK, SUB)
    cap = jnp.take_along_axis(cls_sub, sid[:, :, None], axis=1)
    top_v, p = jax.lax.top_k(cap.reshape(b, N_TOP * SUB), N_TOP)
    sub = jnp.take_along_axis(sid, p // SUB, axis=1)
    indices = sub // N_SPLIT
    classes = (sub % N_SPLIT) * SUB + p % SUB

    pad_fill = jnp.arange(G_PAD - G_TOT, dtype=jnp.int32)
    aidx = jnp.concatenate([indices.reshape(-1), pad_fill])
    bidx = jnp.concatenate(
        [(indices + jnp.arange(b, dtype=jnp.int32)[:, None] * N_ANCH).reshape(-1),
         pad_fill])
    btabs = []
    for j in range(4):
        btabs.append(jnp.concatenate(
            [jnp.transpose(o[:, j::4], (0, 2, 3, 1)).reshape(b, -1)
             for o in box_list], axis=1).reshape(-1))
    atabs = [jnp.asarray(np.ascontiguousarray(_ANCH[:, j])) for j in range(4)]
    gat = _sc_gather_fn()(*btabs, *atabs,
                     bidx.reshape(_NW, G_NCH, G_CHUNK),
                     aidx.reshape(_NW, G_NCH, G_CHUNK))

    def unflat(x):
        return x[:G_TOT].reshape(b, N_TOP)

    args = [
        unflat(gat[0]), unflat(gat[1]), unflat(gat[2]), unflat(gat[3]),
        unflat(gat[4]), unflat(gat[5]), unflat(gat[6]), unflat(gat[7]),
        top_v, classes.astype(jnp.float32),
        image_scales[:, None],
    ]
    dets = pl.pallas_call(
        _nms_body,
        out_shape=jax.ShapeDtypeStruct((NB, N_DET, 6), jnp.float32),
    )(*args)
    return dets

# --- scband reference (transcript-rebuilt; emitter-appended) ---
"""Pipeline reference for scband-det-cls-bench-eval-42477226557705 (READ-ONLY COPY).

The authoritative reference and input builder live on the scoring server;
editing this copy changes nothing except your own understanding.
"""

import jax, jax.numpy as jnp
import numpy as np

NUM_CLASSES = 90
MIN_LEVEL = 3
NUM_LEVELS = 5
IMAGE_SIZE = 512
ANCHOR_SCALE = 4.0
NUM_SCALES = 3
ASPECTS = [(1.0, 1.0), (1.4, 0.7), (0.7, 1.4)]
MAX_DETECTION_POINTS = 5000
MAX_DETECTIONS_PER_IMAGE = 100
IOU_THRESH = 0.5
BATCH = 8


def _make_anchors():
    all_boxes = []
    for level in range(MIN_LEVEL, MIN_LEVEL + NUM_LEVELS):
        stride = 2 ** level
        feat = IMAGE_SIZE // stride
        yc = (np.arange(feat) + 0.5) * stride
        xc = (np.arange(feat) + 0.5) * stride
        yv, xv = np.meshgrid(yc, xc, indexing='ij')
        yv = yv.reshape(-1)
        xv = xv.reshape(-1)
        per_cfg = []
        for octave in range(NUM_SCALES):
            scale = 2.0 ** (octave / float(NUM_SCALES))
            base = ANCHOR_SCALE * stride * scale
            for ay, ax in ASPECTS:
                h2 = base * ay / 2.0
                w2 = base * ax / 2.0
                per_cfg.append(np.stack([yv - h2, xv - w2, yv + h2, xv + w2], axis=1)[:, None, :])
        all_boxes.append(np.concatenate(per_cfg, axis=1).reshape(-1, 4))
    return np.concatenate(all_boxes, axis=0).astype(np.float32)

ANCHORS = jnp.asarray(_make_anchors())  # [49104, 4] in (y1, x1, y2, x2)


def _decode(rel, anc):
    ycenter_a = (anc[..., 0] + anc[..., 2]) / 2.0
    xcenter_a = (anc[..., 1] + anc[..., 3]) / 2.0
    ha = anc[..., 2] - anc[..., 0]
    wa = anc[..., 3] - anc[..., 1]
    ty, tx, th, tw = rel[..., 0], rel[..., 1], rel[..., 2], rel[..., 3]
    w = jnp.exp(tw) * wa
    h = jnp.exp(th) * ha
    ycenter = ty * ha + ycenter_a
    xcenter = tx * wa + xcenter_a
    return jnp.stack([ycenter - h / 2.0, xcenter - w / 2.0, ycenter + h / 2.0, xcenter + w / 2.0], axis=-1)


def _post_process(cls_list, box_list):
    b = cls_list[0].shape[0]
    cls_all = jnp.concatenate([jnp.transpose(c, (0, 2, 3, 1)).reshape(b, -1, NUM_CLASSES) for c in cls_list], axis=1)
    box_all = jnp.concatenate([jnp.transpose(o, (0, 2, 3, 1)).reshape(b, -1, 4) for o in box_list], axis=1)
    _, topi = jax.lax.top_k(cls_all.reshape(b, -1), MAX_DETECTION_POINTS)
    indices = topi // NUM_CLASSES
    classes = topi % NUM_CLASSES
    box_tk = jnp.take_along_axis(box_all, indices[:, :, None], axis=1)
    cls_tk = jnp.take_along_axis(cls_all, indices[:, :, None], axis=1)
    cls_tk = jnp.take_along_axis(cls_tk, classes[:, :, None], axis=2)[..., 0]
    return cls_tk, box_tk, indices, classes


def _iou_one_to_many(box, boxes):
    ya = jnp.maximum(box[0], boxes[:, 0])
    xa = jnp.maximum(box[1], boxes[:, 1])
    yb = jnp.minimum(box[2], boxes[:, 2])
    xb = jnp.minimum(box[3], boxes[:, 3])
    inter = jnp.clip(yb - ya, 0.0) * jnp.clip(xb - xa, 0.0)
    a1 = (box[2] - box[0]) * (box[3] - box[1])
    a2 = (boxes[:, 2] - boxes[:, 0]) * (boxes[:, 3] - boxes[:, 1])
    return inter / (a1 + a2 - inter + 1e-8)


def _nms_single(boxes, scores, classes, image_scale):
    # class-aware hard NMS via coordinate offset trick (equivalent to batched_nms)
    offs = boxes + classes[:, None].astype(boxes.dtype) * 1e4

    def step(scores_work, _):
        best = jnp.argmax(scores_work)
        best_score = scores_work[best]
        bb = boxes[best]
        iou = _iou_one_to_many(offs[best], offs)
        scores_work = jnp.where(iou > IOU_THRESH, -1.0, scores_work)
        scores_work = scores_work.at[best].set(-1.0)
        det = jnp.concatenate([bb * image_scale, best_score[None], (classes[best] + 1).astype(boxes.dtype)[None]])
        return scores_work, det

    _, dets = jax.lax.scan(step, scores, None, length=MAX_DETECTIONS_PER_IMAGE)
    return dets  # [100, 6]


def setup_inputs(seed: int = 0) -> dict:
    key = jax.random.key(seed)
    ks = jax.random.split(key, 11)
    feats = [64, 32, 16, 8, 4]
    inp = {}
    for i, f in enumerate(feats):
        inp['cls_p%d' % (i + 3)] = jax.random.normal(ks[i], (BATCH, 810, f, f), dtype=jnp.float32)
    for i, f in enumerate(feats):
        inp['box_p%d' % (i + 3)] = jax.random.normal(ks[5 + i], (BATCH, 36, f, f), dtype=jnp.float32) * 0.2
    inp['image_scales'] = jax.random.uniform(ks[10], (BATCH,), dtype=jnp.float32) + 0.5
    return inp


def reference(cls_p3, cls_p4, cls_p5, cls_p6, cls_p7, box_p3, box_p4, box_p5, box_p6, box_p7, image_scales):
    cls_list = [cls_p3, cls_p4, cls_p5, cls_p6, cls_p7]
    box_list = [box_p3, box_p4, box_p5, box_p6, box_p7]
    cls_tk, box_tk, indices, classes = _post_process(cls_list, box_list)
    anc = ANCHORS[indices]  # gather [B, 5000, 4]
    boxes = _decode(box_tk, anc)
    scores = jax.nn.sigmoid(cls_tk)
    dets = jax.vmap(_nms_single)(boxes, scores, classes, image_scales)
    return dets  # [B, 100, 6] = (y1, x1, y2, x2, score, class)

if __name__ == "__main__":
    import jax
    _d = setup_inputs()
    print(jax.jit(kernel)(*tuple(_d.values())))

</pallas_src>

<mosaic_0001>
#map = affine_map<(d0, d1) -> (0)>
#map1 = affine_map<(d0, d1) -> (0, 0, 0)>
module attributes {stable_mosaic.version = 14 : i64} {
  func.func @_sc_gather_body(%arg0: i32, %arg1: i32, %arg2: memref<392832xf32, #tpu.memory_space<hbm>>, %arg3: memref<392832xf32, #tpu.memory_space<hbm>>, %arg4: memref<392832xf32, #tpu.memory_space<hbm>>, %arg5: memref<392832xf32, #tpu.memory_space<hbm>>, %arg6: memref<49104xf32, #tpu.memory_space<hbm>>, %arg7: memref<49104xf32, #tpu.memory_space<hbm>>, %arg8: memref<49104xf32, #tpu.memory_space<hbm>>, %arg9: memref<49104xf32, #tpu.memory_space<hbm>>, %arg10: memref<32x10x128xi32, #tpu.memory_space<hbm>>, %arg11: memref<32x10x128xi32, #tpu.memory_space<hbm>>, %arg12: memref<40960xf32, #tpu.memory_space<hbm>>, %arg13: memref<40960xf32, #tpu.memory_space<hbm>>, %arg14: memref<40960xf32, #tpu.memory_space<hbm>>, %arg15: memref<40960xf32, #tpu.memory_space<hbm>>, %arg16: memref<40960xf32, #tpu.memory_space<hbm>>, %arg17: memref<40960xf32, #tpu.memory_space<hbm>>, %arg18: memref<40960xf32, #tpu.memory_space<hbm>>, %arg19: memref<40960xf32, #tpu.memory_space<hbm>>, %arg20: memref<10x128xi32, #tpu.memory_space<vmem>>, %arg21: memref<10x128xi32, #tpu.memory_space<vmem>>, %arg22: memref<1280xf32, #tpu.memory_space<vmem>>, %arg23: memref<1280xf32, #tpu.memory_space<vmem>>, %arg24: memref<1280xf32, #tpu.memory_space<vmem>>, %arg25: memref<1280xf32, #tpu.memory_space<vmem>>, %arg26: memref<1280xf32, #tpu.memory_space<vmem>>, %arg27: memref<1280xf32, #tpu.memory_space<vmem>>, %arg28: memref<1280xf32, #tpu.memory_space<vmem>>, %arg29: memref<1280xf32, #tpu.memory_space<vmem>>, %arg30: memref<!tpu.dma_semaphore, #tpu.memory_space<semaphore_mem>>, %arg31: memref<!tpu.dma_semaphore, #tpu.memory_space<semaphore_mem>>) attributes {dimension_semantics = [#tpu.dimension_semantics<core_parallel>, #tpu.dimension_semantics<subcore_parallel>], iteration_bounds = array<i64: 2, 16>, scalar_prefetch = 0 : i64, scratch_operands = 12 : i64, tpu.core_type = #tpu.core_type<sc_vector_subcore>, window_params = [{transform_indices = #map}, {transform_indices = #map}, {transform_indices = #map}, {transform_indices = #map}, {transform_indices = #map}, {transform_indices = #map}, {transform_indices = #map}, {transform_indices = #map}, {transform_indices = #map1}, {transform_indices = #map1}, {transform_indices = #map}, {transform_indices = #map}, {transform_indices = #map}, {transform_indices = #map}, {transform_indices = #map}, {transform_indices = #map}, {transform_indices = #map}, {transform_indices = #map}]} {
    %mul3A = arith.constant 2 : i32
    %mul3A_0 = arith.muli %arg1, %mul3A : i32
    %add3A = arith.addi %mul3A_0, %arg0 : i32
    %mul3A_1 = arith.constant 1280 : i32
    %mul3A_2 = arith.muli %add3A, %mul3A_1 : i32
    "tpu.region"() ({
      %run_scoped3A = tpu.sem_alloc : memref<!tpu.dma_semaphore, #tpu.memory_space<semaphore_mem>>
      %dma_start3A = arith.constant 0 : i32
      %dma_start3A_9 = arith.constant 0 : i32
      %dma_start3A_10 = tpu.memref_slice %arg10[%add3A, %dma_start3A, %dma_start3A_9] : memref<32x10x128xi32, #tpu.memory_space<hbm>> -> memref<1x10x128xi32, #tpu.memory_space<hbm>>
      %dma_start3A_11 = tpu.memref_squeeze %dma_start3A_10 : memref<1x10x128xi32, #tpu.memory_space<hbm>> -> memref<10x128xi32, #tpu.memory_space<hbm>>
      %dma_start3A_12 = arith.constant 0 : i32
      %dma_start3A_13 = arith.constant 0 : i32
      %dma_start3A_14 = tpu.memref_slice %arg10[%add3A, %dma_start3A_12, %dma_start3A_13] : memref<32x10x128xi32, #tpu.memory_space<hbm>> -> memref<1x10x128xi32, #tpu.memory_space<hbm>>
      %dma_start3A_15 = tpu.memref_squeeze %dma_start3A_14 : memref<1x10x128xi32, #tpu.memory_space<hbm>> -> memref<10x128xi32, #tpu.memory_space<hbm>>
      tpu.enqueue_dma source(%dma_start3A_15 : memref<10x128xi32, #tpu.memory_space<hbm>>) target(%arg20 : memref<10x128xi32, #tpu.memory_space<vmem>>) target_semaphore(%run_scoped3A : memref<!tpu.dma_semaphore, #tpu.memory_space<semaphore_mem>>)
      %dma_wait3A = arith.constant 0 : i32
      %dma_wait3A_16 = arith.constant 0 : i32
      %dma_wait3A_17 = tpu.memref_slice %arg10[%add3A, %dma_wait3A, %dma_wait3A_16] : memref<32x10x128xi32, #tpu.memory_space<hbm>> -> memref<1x10x128xi32, #tpu.memory_space<hbm>>
      %dma_wait3A_18 = tpu.memref_squeeze %dma_wait3A_17 : memref<1x10x128xi32, #tpu.memory_space<hbm>> -> memref<10x128xi32, #tpu.memory_space<hbm>>
      %dma_wait3A_19 = arith.constant 0 : i32
      %dma_wait3A_20 = arith.constant 0 : i32
      %dma_wait3A_21 = tpu.memref_slice %arg10[%add3A, %dma_wait3A_19, %dma_wait3A_20] : memref<32x10x128xi32, #tpu.memory_space<hbm>> -> memref<1x10x128xi32, #tpu.memory_space<hbm>>
      %dma_wait3A_22 = tpu.memref_squeeze %dma_wait3A_21 : memref<1x10x128xi32, #tpu.memory_space<hbm>> -> memref<10x128xi32, #tpu.memory_space<hbm>>
      tpu.wait_dma2 semaphore(%run_scoped3A : memref<!tpu.dma_semaphore, #tpu.memory_space<semaphore_mem>>) src(%dma_wait3A_22 : memref<10x128xi32, #tpu.memory_space<hbm>>) dst(%arg20 : memref<10x128xi32, #tpu.memory_space<vmem>>)
      tpu.yield
    }) : () -> ()
    "tpu.region"() ({
      %run_scoped3A = tpu.sem_alloc : memref<!tpu.dma_semaphore, #tpu.memory_space<semaphore_mem>>
      %dma_start3A = arith.constant 0 : i32
      %dma_start3A_9 = arith.constant 0 : i32
      %dma_start3A_10 = tpu.memref_slice %arg11[%add3A, %dma_start3A, %dma_start3A_9] : memref<32x10x128xi32, #tpu.memory_space<hbm>> -> memref<1x10x128xi32, #tpu.memory_space<hbm>>
      %dma_start3A_11 = tpu.memref_squeeze %dma_start3A_10 : memref<1x10x128xi32, #tpu.memory_space<hbm>> -> memref<10x128xi32, #tpu.memory_space<hbm>>
      %dma_start3A_12 = arith.constant 0 : i32
      %dma_start3A_13 = arith.constant 0 : i32
      %dma_start3A_14 = tpu.memref_slice %arg11[%add3A, %dma_start3A_12, %dma_start3A_13] : memref<32x10x128xi32, #tpu.memory_space<hbm>> -> memref<1x10x128xi32, #tpu.memory_space<hbm>>
      %dma_start3A_15 = tpu.memref_squeeze %dma_start3A_14 : memref<1x10x128xi32, #tpu.memory_space<hbm>> -> memref<10x128xi32, #tpu.memory_space<hbm>>
      tpu.enqueue_dma source(%dma_start3A_15 : memref<10x128xi32, #tpu.memory_space<hbm>>) target(%arg21 : memref<10x128xi32, #tpu.memory_space<vmem>>) target_semaphore(%run_scoped3A : memref<!tpu.dma_semaphore, #tpu.memory_space<semaphore_mem>>)
      %dma_wait3A = arith.constant 0 : i32
      %dma_wait3A_16 = arith.constant 0 : i32
      %dma_wait3A_17 = tpu.memref_slice %arg11[%add3A, %dma_wait3A, %dma_wait3A_16] : memref<32x10x128xi32, #tpu.memory_space<hbm>> -> memref<1x10x128xi32, #tpu.memory_space<hbm>>
      %dma_wait3A_18 = tpu.memref_squeeze %dma_wait3A_17 : memref<1x10x128xi32, #tpu.memory_space<hbm>> -> memref<10x128xi32, #tpu.memory_space<hbm>>
      %dma_wait3A_19 = arith.constant 0 : i32
      %dma_wait3A_20 = arith.constant 0 : i32
      %dma_wait3A_21 = tpu.memref_slice %arg11[%add3A, %dma_wait3A_19, %dma_wait3A_20] : memref<32x10x128xi32, #tpu.memory_space<hbm>> -> memref<1x10x128xi32, #tpu.memory_space<hbm>>
      %dma_wait3A_22 = tpu.memref_squeeze %dma_wait3A_21 : memref<1x10x128xi32, #tpu.memory_space<hbm>> -> memref<10x128xi32, #tpu.memory_space<hbm>>
      tpu.wait_dma2 semaphore(%run_scoped3A : memref<!tpu.dma_semaphore, #tpu.memory_space<semaphore_mem>>) src(%dma_wait3A_22 : memref<10x128xi32, #tpu.memory_space<hbm>>) dst(%arg21 : memref<10x128xi32, #tpu.memory_space<vmem>>)
      tpu.yield
    }) : () -> ()
    %scan3A = arith.constant 0 : i32
    %scan3A_3 = arith.constant 0 : i32
    %scan3A_4 = arith.constant 10 : i32
    %scan3A_5 = arith.addi %scan3A_3, %scan3A_4 : i32
    %scan3A_6 = arith.constant 1 : i32
    %scan3A_7 = scf.for %scan3A_9 = %scan3A_3 to %scan3A_5 step %scan3A_6 iter_args(%scan3A_10 = %scan3A) -> (i32)  : i32 {
      %mul3A_11 = arith.constant 128 : i32
      %mul3A_12 = arith.muli %scan3A_9, %mul3A_11 : i32
      %dma_start3A = tpu.memref_slice %arg22[%mul3A_12] : memref<1280xf32, #tpu.memory_space<vmem>> -> memref<128xf32, #tpu.memory_space<vmem>>
      %dma_start3A_13 = arith.constant 0 : i32
      %dma_start3A_14 = tpu.memref_slice %arg20[%scan3A_9, %dma_start3A_13] : memref<10x128xi32, #tpu.memory_space<vmem>> -> memref<1x128xi32, #tpu.memory_space<vmem>>
      %dma_start3A_15 = tpu.memref_squeeze %dma_start3A_14 : memref<1x128xi32, #tpu.memory_space<vmem>> -> memref<128xi32, #tpu.memory_space<vmem>>
      %dma_start3A_16 = arith.constant 0 : i32
      %dma_start3A_17 = tpu.memref_slice %arg2[%dma_start3A_16] : memref<392832xf32, #tpu.memory_space<hbm>> -> memref<392832xf32, #tpu.memory_space<hbm>>
      tpu.enqueue_indirect_dma source(%dma_start3A_17 : memref<392832xf32, #tpu.memory_space<hbm>>) target(%dma_start3A : memref<128xf32, #tpu.memory_space<vmem>>) offsets(%dma_start3A_15 : memref<128xi32, #tpu.memory_space<vmem>>) semaphore(%arg30 : memref<!tpu.dma_semaphore, #tpu.memory_space<semaphore_mem>>)
      %dma_start3A_18 = tpu.memref_slice %arg26[%mul3A_12] : memref<1280xf32, #tpu.memory_space<vmem>> -> memref<128xf32, #tpu.memory_space<vmem>>
      %dma_start3A_19 = arith.constant 0 : i32
      %dma_start3A_20 = tpu.memref_slice %arg21[%scan3A_9, %dma_start3A_19] : memref<10x128xi32, #tpu.memory_space<vmem>> -> memref<1x128xi32, #tpu.memory_space<vmem>>
      %dma_start3A_21 = tpu.memref_squeeze %dma_start3A_20 : memref<1x128xi32, #tpu.memory_space<vmem>> -> memref<128xi32, #tpu.memory_space<vmem>>
      %dma_start3A_22 = arith.constant 0 : i32
      %dma_start3A_23 = tpu.memref_slice %arg6[%dma_start3A_22] : memref<49104xf32, #tpu.memory_space<hbm>> -> memref<49104xf32, #tpu.memory_space<hbm>>
      tpu.enqueue_indirect_dma source(%dma_start3A_23 : memref<49104xf32, #tpu.memory_space<hbm>>) target(%dma_start3A_18 : memref<128xf32, #tpu.memory_space<vmem>>) offsets(%dma_start3A_21 : memref<128xi32, #tpu.memory_space<vmem>>) semaphore(%arg31 : memref<!tpu.dma_semaphore, #tpu.memory_space<semaphore_mem>>)
      %dma_start3A_24 = tpu.memref_slice %arg23[%mul3A_12] : memref<1280xf32, #tpu.memory_space<vmem>> -> memref<128xf32, #tpu.memory_space<vmem>>
      %dma_start3A_25 = arith.constant 0 : i32
      %dma_start3A_26 = tpu.memref_slice %arg20[%scan3A_9, %dma_start3A_25] : memref<10x128xi32, #tpu.memory_space<vmem>> -> memref<1x128xi32, #tpu.memory_space<vmem>>
      %dma_start3A_27 = tpu.memref_squeeze %dma_start3A_26 : memref<1x128xi32, #tpu.memory_space<vmem>> -> memref<128xi32, #tpu.memory_space<vmem>>
      %dma_start3A_28 = arith.constant 0 : i32
      %dma_start3A_29 = tpu.memref_slice %arg3[%dma_start3A_28] : memref<392832xf32, #tpu.memory_space<hbm>> -> memref<392832xf32, #tpu.memory_space<hbm>>
      tpu.enqueue_indirect_dma source(%dma_start3A_29 : memref<392832xf32, #tpu.memory_space<hbm>>) target(%dma_start3A_24 : memref<128xf32, #tpu.memory_space<vmem>>) offsets(%dma_start3A_27 : memref<128xi32, #tpu.memory_space<vmem>>) semaphore(%arg30 : memref<!tpu.dma_semaphore, #tpu.memory_space<semaphore_mem>>)
      %dma_start3A_30 = tpu.memref_slice %arg27[%mul3A_12] : memref<1280xf32, #tpu.memory_space<vmem>> -> memref<128xf32, #tpu.memory_space<vmem>>
      %dma_start3A_31 = arith.constant 0 : i32
      %dma_start3A_32 = tpu.memref_slice %arg21[%scan3A_9, %dma_start3A_31] : memref<10x128xi32, #tpu.memory_space<vmem>> -> memref<1x128xi32, #tpu.memory_space<vmem>>
      %dma_start3A_33 = tpu.memref_squeeze %dma_start3A_32 : memref<1x128xi32, #tpu.memory_space<vmem>> -> memref<128xi32, #tpu.memory_space<vmem>>
      %dma_start3A_34 = arith.constant 0 : i32
      %dma_start3A_35 = tpu.memref_slice %arg7[%dma_start3A_34] : memref<49104xf32, #tpu.memory_space<hbm>> -> memref<49104xf32, #tpu.memory_space<hbm>>
      tpu.enqueue_indirect_dma source(%dma_start3A_35 : memref<49104xf32, #tpu.memory_space<hbm>>) target(%dma_start3A_30 : memref<128xf32, #tpu.memory_space<vmem>>) offsets(%dma_start3A_33 : memref<128xi32, #tpu.memory_space<vmem>>) semaphore(%arg31 : memref<!tpu.dma_semaphore, #tpu.memory_space<semaphore_mem>>)
      %dma_start3A_36 = tpu.memref_slice %arg24[%mul3A_12] : memref<1280xf32, #tpu.memory_space<vmem>> -> memref<128xf32, #tpu.memory_space<vmem>>
      %dma_start3A_37 = arith.constant 0 : i32
      %dma_start3A_38 = tpu.memref_slice %arg20[%scan3A_9, %dma_start3A_37] : memref<10x128xi32, #tpu.memory_space<vmem>> -> memref<1x128xi32, #tpu.memory_space<vmem>>
      %dma_start3A_39 = tpu.memref_squeeze %dma_start3A_38 : memref<1x128xi32, #tpu.memory_space<vmem>> -> memref<128xi32, #tpu.memory_space<vmem>>
      %dma_start3A_40 = arith.constant 0 : i32
      %dma_start3A_41 = tpu.memref_slice %arg4[%dma_start3A_40] : memref<392832xf32, #tpu.memory_space<hbm>> -> memref<392832xf32, #tpu.memory_space<hbm>>
      tpu.enqueue_indirect_dma source(%dma_start3A_41 : memref<392832xf32, #tpu.memory_space<hbm>>) target(%dma_start3A_36 : memref<128xf32, #tpu.memory_space<vmem>>) offsets(%dma_start3A_39 : memref<128xi32, #tpu.memory_space<vmem>>) semaphore(%arg30 : memref<!tpu.dma_semaphore, #tpu.memory_space<semaphore_mem>>)
      %dma_start3A_42 = tpu.memref_slice %arg28[%mul3A_12] : memref<1280xf32, #tpu.memory_space<vmem>> -> memref<128xf32, #tpu.memory_space<vmem>>
      %dma_start3A_43 = arith.constant 0 : i32
      %dma_start3A_44 = tpu.memref_slice %arg21[%scan3A_9, %dma_start3A_43] : memref<10x128xi32, #tpu.memory_space<vmem>> -> memref<1x128xi32, #tpu.memory_space<vmem>>
      %dma_start3A_45 = tpu.memref_squeeze %dma_start3A_44 : memref<1x128xi32, #tpu.memory_space<vmem>> -> memref<128xi32, #tpu.memory_space<vmem>>
      %dma_start3A_46 = arith.constant 0 : i32
      %dma_start3A_47 = tpu.memref_slice %arg8[%dma_start3A_46] : memref<49104xf32, #tpu.memory_space<hbm>> -> memref<49104xf32, #tpu.memory_space<hbm>>
      tpu.enqueue_indirect_dma source(%dma_start3A_47 : memref<49104xf32, #tpu.memory_space<hbm>>) target(%dma_start3A_42 : memref<128xf32, #tpu.memory_space<vmem>>) offsets(%dma_start3A_45 : memref<128xi32, #tpu.memory_space<vmem>>) semaphore(%arg31 : memref<!tpu.dma_semaphore, #tpu.memory_space<semaphore_mem>>)
      %dma_start3A_48 = tpu.memref_slice %arg25[%mul3A_12] : memref<1280xf32, #tpu.memory_space<vmem>> -> memref<128xf32, #tpu.memory_space<vmem>>
      %dma_start3A_49 = arith.constant 0 : i32
      %dma_start3A_50 = tpu.memref_slice %arg20[%scan3A_9, %dma_start3A_49] : memref<10x128xi32, #tpu.memory_space<vmem>> -> memref<1x128xi32, #tpu.memory_space<vmem>>
      %dma_start3A_51 = tpu.memref_squeeze %dma_start3A_50 : memref<1x128xi32, #tpu.memory_space<vmem>> -> memref<128xi32, #tpu.memory_space<vmem>>
      %dma_start3A_52 = arith.constant 0 : i32
      %dma_start3A_53 = tpu.memref_slice %arg5[%dma_start3A_52] : memref<392832xf32, #tpu.memory_space<hbm>> -> memref<392832xf32, #tpu.memory_space<hbm>>
      tpu.enqueue_indirect_dma source(%dma_start3A_53 : memref<392832xf32, #tpu.memory_space<hbm>>) target(%dma_start3A_48 : memref<128xf32, #tpu.memory_space<vmem>>) offsets(%dma_start3A_51 : memref<128xi32, #tpu.memory_space<vmem>>) semaphore(%arg30 : memref<!tpu.dma_semaphore, #tpu.memory_space<semaphore_mem>>)
      %dma_start3A_54 = tpu.memref_slice %arg29[%mul3A_12] : memref<1280xf32, #tpu.memory_space<vmem>> -> memref<128xf32, #tpu.memory_space<vmem>>
      %dma_start3A_55 = arith.constant 0 : i32
      %dma_start3A_56 = tpu.memref_slice %arg21[%scan3A_9, %dma_start3A_55] : memref<10x128xi32, #tpu.memory_space<vmem>> -> memref<1x128xi32, #tpu.memory_space<vmem>>
      %dma_start3A_57 = tpu.memref_squeeze %dma_start3A_56 : memref<1x128xi32, #tpu.memory_space<vmem>> -> memref<128xi32, #tpu.memory_space<vmem>>
      %dma_start3A_58 = arith.constant 0 : i32
      %dma_start3A_59 = tpu.memref_slice %arg9[%dma_start3A_58] : memref<49104xf32, #tpu.memory_space<hbm>> -> memref<49104xf32, #tpu.memory_space<hbm>>
      tpu.enqueue_indirect_dma source(%dma_start3A_59 : memref<49104xf32, #tpu.memory_space<hbm>>) target(%dma_start3A_54 : memref<128xf32, #tpu.memory_space<vmem>>) offsets(%dma_start3A_57 : memref<128xi32, #tpu.memory_space<vmem>>) semaphore(%arg31 : memref<!tpu.dma_semaphore, #tpu.memory_space<semaphore_mem>>)
      %dma_wait3A = tpu.memref_slice %arg22[%mul3A_12] : memref<1280xf32, #tpu.memory_space<vmem>> -> memref<128xf32, #tpu.memory_space<vmem>>
      %dma_wait3A_60 = arith.constant 0 : i32
      %dma_wait3A_61 = tpu.memref_slice %arg20[%scan3A_9, %dma_wait3A_60] : memref<10x128xi32, #tpu.memory_space<vmem>> -> memref<1x128xi32, #tpu.memory_space<vmem>>
      %dma_wait3A_62 = tpu.memref_squeeze %dma_wait3A_61 : memref<1x128xi32, #tpu.memory_space<vmem>> -> memref<128xi32, #tpu.memory_space<vmem>>
      %dma_wait3A_63 = arith.constant 0 : i32
      %dma_wait3A_64 = tpu.memref_slice %arg2[%dma_wait3A_63] : memref<392832xf32, #tpu.memory_space<hbm>> -> memref<392832xf32, #tpu.memory_space<hbm>>
      tpu.wait_indirect_dma semaphore(%arg30 : memref<!tpu.dma_semaphore, #tpu.memory_space<semaphore_mem>>) src(%dma_wait3A_64 : memref<392832xf32, #tpu.memory_space<hbm>>) dst(%dma_wait3A : memref<128xf32, #tpu.memory_space<vmem>>)
      %dma_wait3A_65 = tpu.memref_slice %arg26[%mul3A_12] : memref<1280xf32, #tpu.memory_space<vmem>> -> memref<128xf32, #tpu.memory_space<vmem>>
      %dma_wait3A_66 = arith.constant 0 : i32
      %dma_wait3A_67 = tpu.memref_slice %arg21[%scan3A_9, %dma_wait3A_66] : memref<10x128xi32, #tpu.memory_space<vmem>> -> memref<1x128xi32, #tpu.memory_space<vmem>>
      %dma_wait3A_68 = tpu.memref_squeeze %dma_wait3A_67 : memref<1x128xi32, #tpu.memory_space<vmem>> -> memref<128xi32, #tpu.memory_space<vmem>>
      %dma_wait3A_69 = arith.constant 0 : i32
      %dma_wait3A_70 = tpu.memref_slice %arg6[%dma_wait3A_69] : memref<49104xf32, #tpu.memory_space<hbm>> -> memref<49104xf32, #tpu.memory_space<hbm>>
      tpu.wait_indirect_dma semaphore(%arg31 : memref<!tpu.dma_semaphore, #tpu.memory_space<semaphore_mem>>) src(%dma_wait3A_70 : memref<49104xf32, #tpu.memory_space<hbm>>) dst(%dma_wait3A_65 : memref<128xf32, #tpu.memory_space<vmem>>)
      %dma_wait3A_71 = tpu.memref_slice %arg23[%mul3A_12] : memref<1280xf32, #tpu.memory_space<vmem>> -> memref<128xf32, #tpu.memory_space<vmem>>
      %dma_wait3A_72 = arith.constant 0 : i32
      %dma_wait3A_73 = tpu.memref_slice %arg20[%scan3A_9, %dma_wait3A_72] : memref<10x128xi32, #tpu.memory_space<vmem>> -> memref<1x128xi32, #tpu.memory_space<vmem>>
      %dma_wait3A_74 = tpu.memref_squeeze %dma_wait3A_73 : memref<1x128xi32, #tpu.memory_space<vmem>> -> memref<128xi32, #tpu.memory_space<vmem>>
      %dma_wait3A_75 = arith.constant 0 : i32
      %dma_wait3A_76 = tpu.memref_slice %arg3[%dma_wait3A_75] : memref<392832xf32, #tpu.memory_space<hbm>> -> memref<392832xf32, #tpu.memory_space<hbm>>
      tpu.wait_indirect_dma semaphore(%arg30 : memref<!tpu.dma_semaphore, #tpu.memory_space<semaphore_mem>>) src(%dma_wait3A_76 : memref<392832xf32, #tpu.memory_space<hbm>>) dst(%dma_wait3A_71 : memref<128xf32, #tpu.memory_space<vmem>>)
      %dma_wait3A_77 = tpu.memref_slice %arg27[%mul3A_12] : memref<1280xf32, #tpu.memory_space<vmem>> -> memref<128xf32, #tpu.memory_space<vmem>>
      %dma_wait3A_78 = arith.constant 0 : i32
      %dma_wait3A_79 = tpu.memref_slice %arg21[%scan3A_9, %dma_wait3A_78] : memref<10x128xi32, #tpu.memory_space<vmem>> -> memref<1x128xi32, #tpu.memory_space<vmem>>
      %dma_wait3A_80 = tpu.memref_squeeze %dma_wait3A_79 : memref<1x128xi32, #tpu.memory_space<vmem>> -> memref<128xi32, #tpu.memory_space<vmem>>
      %dma_wait3A_81 = arith.constant 0 : i32
      %dma_wait3A_82 = tpu.memref_slice %arg7[%dma_wait3A_81] : memref<49104xf32, #tpu.memory_space<hbm>> -> memref<49104xf32, #tpu.memory_space<hbm>>
      tpu.wait_indirect_dma semaphore(%arg31 : memref<!tpu.dma_semaphore, #tpu.memory_space<semaphore_mem>>) src(%dma_wait3A_82 : memref<49104xf32, #tpu.memory_space<hbm>>) dst(%dma_wait3A_77 : memref<128xf32, #tpu.memory_space<vmem>>)
      %dma_wait3A_83 = tpu.memref_slice %arg24[%mul3A_12] : memref<1280xf32, #tpu.memory_space<vmem>> -> memref<128xf32, #tpu.memory_space<vmem>>
      %dma_wait3A_84 = arith.constant 0 : i32
      %dma_wait3A_85 = tpu.memref_slice %arg20[%scan3A_9, %dma_wait3A_84] : memref<10x128xi32, #tpu.memory_space<vmem>> -> memref<1x128xi32, #tpu.memory_space<vmem>>
      %dma_wait3A_86 = tpu.memref_squeeze %dma_wait3A_85 : memref<1x128xi32, #tpu.memory_space<vmem>> -> memref<128xi32, #tpu.memory_space<vmem>>
      %dma_wait3A_87 = arith.constant 0 : i32
      %dma_wait3A_88 = tpu.memref_slice %arg4[%dma_wait3A_87] : memref<392832xf32, #tpu.memory_space<hbm>> -> memref<392832xf32, #tpu.memory_space<hbm>>
      tpu.wait_indirect_dma semaphore(%arg30 : memref<!tpu.dma_semaphore, #tpu.memory_space<semaphore_mem>>) src(%dma_wait3A_88 : memref<392832xf32, #tpu.memory_space<hbm>>) dst(%dma_wait3A_83 : memref<128xf32, #tpu.memory_space<vmem>>)
      %dma_wait3A_89 = tpu.memref_slice %arg28[%mul3A_12] : memref<1280xf32, #tpu.memory_space<vmem>> -> memref<128xf32, #tpu.memory_space<vmem>>
      %dma_wait3A_90 = arith.constant 0 : i32
      %dma_wait3A_91 = tpu.memref_slice %arg21[%scan3A_9, %dma_wait3A_90] : memref<10x128xi32, #tpu.memory_space<vmem>> -> memref<1x128xi32, #tpu.memory_space<vmem>>
      %dma_wait3A_92 = tpu.memref_squeeze %dma_wait3A_91 : memref<1x128xi32, #tpu.memory_space<vmem>> -> memref<128xi32, #tpu.memory_space<vmem>>
      %dma_wait3A_93 = arith.constant 0 : i32
      %dma_wait3A_94 = tpu.memref_slice %arg8[%dma_wait3A_93] : memref<49104xf32, #tpu.memory_space<hbm>> -> memref<49104xf32, #tpu.memory_space<hbm>>
      tpu.wait_indirect_dma semaphore(%arg31 : memref<!tpu.dma_semaphore, #tpu.memory_space<semaphore_mem>>) src(%dma_wait3A_94 : memref<49104xf32, #tpu.memory_space<hbm>>) dst(%dma_wait3A_89 : memref<128xf32, #tpu.memory_space<vmem>>)
      %dma_wait3A_95 = tpu.memref_slice %arg25[%mul3A_12] : memref<1280xf32, #tpu.memory_space<vmem>> -> memref<128xf32, #tpu.memory_space<vmem>>
      %dma_wait3A_96 = arith.constant 0 : i32
      %dma_wait3A_97 = tpu.memref_slice %arg20[%scan3A_9, %dma_wait3A_96] : memref<10x128xi32, #tpu.memory_space<vmem>> -> memref<1x128xi32, #tpu.memory_space<vmem>>
      %dma_wait3A_98 = tpu.memref_squeeze %dma_wait3A_97 : memref<1x128xi32, #tpu.memory_space<vmem>> -> memref<128xi32, #tpu.memory_space<vmem>>
      %dma_wait3A_99 = arith.constant 0 : i32
      %dma_wait3A_100 = tpu.memref_slice %arg5[%dma_wait3A_99] : memref<392832xf32, #tpu.memory_space<hbm>> -> memref<392832xf32, #tpu.memory_space<hbm>>
      tpu.wait_indirect_dma semaphore(%arg30 : memref<!tpu.dma_semaphore, #tpu.memory_space<semaphore_mem>>) src(%dma_wait3A_100 : memref<392832xf32, #tpu.memory_space<hbm>>) dst(%dma_wait3A_95 : memref<128xf32, #tpu.memory_space<vmem>>)
      %dma_wait3A_101 = tpu.memref_slice %arg29[%mul3A_12] : memref<1280xf32, #tpu.memory_space<vmem>> -> memref<128xf32, #tpu.memory_space<vmem>>
      %dma_wait3A_102 = arith.constant 0 : i32
      %dma_wait3A_103 = tpu.memref_slice %arg21[%scan3A_9, %dma_wait3A_102] : memref<10x128xi32, #tpu.memory_space<vmem>> -> memref<1x128xi32, #tpu.memory_space<vmem>>
      %dma_wait3A_104 = tpu.memref_squeeze %dma_wait3A_103 : memref<1x128xi32, #tpu.memory_space<vmem>> -> memref<128xi32, #tpu.memory_space<vmem>>
      %dma_wait3A_105 = arith.constant 0 : i32
      %dma_wait3A_106 = tpu.memref_slice %arg9[%dma_wait3A_105] : memref<49104xf32, #tpu.memory_space<hbm>> -> memref<49104xf32, #tpu.memory_space<hbm>>
      tpu.wait_indirect_dma semaphore(%arg31 : memref<!tpu.dma_semaphore, #tpu.memory_space<semaphore_mem>>) src(%dma_wait3A_106 : memref<49104xf32, #tpu.memory_space<hbm>>) dst(%dma_wait3A_101 : memref<128xf32, #tpu.memory_space<vmem>>)
      %scan3A_107 = arith.constant 0 : i32
      scf.yield %scan3A_107 : i32
    }
    %scan3A_8 = arith.constant 10 : i32
    "tpu.region"() ({
      %run_scoped3A = tpu.sem_alloc : memref<!tpu.dma_semaphore, #tpu.memory_space<semaphore_mem>>
      %dma_start3A = tpu.memref_slice %arg12[%mul3A_2] : memref<40960xf32, #tpu.memory_space<hbm>> -> memref<1280xf32, #tpu.memory_space<hbm>>
      %dma_start3A_9 = tpu.memref_slice %arg12[%mul3A_2] : memref<40960xf32, #tpu.memory_space<hbm>> -> memref<1280xf32, #tpu.memory_space<hbm>>
      tpu.enqueue_dma source(%arg22 : memref<1280xf32, #tpu.memory_space<vmem>>) target(%dma_start3A_9 : memref<1280xf32, #tpu.memory_space<hbm>>) target_semaphore(%run_scoped3A : memref<!tpu.dma_semaphore, #tpu.memory_space<semaphore_mem>>)
      %dma_wait3A = tpu.memref_slice %arg12[%mul3A_2] : memref<40960xf32, #tpu.memory_space<hbm>> -> memref<1280xf32, #tpu.memory_space<hbm>>
      %dma_wait3A_10 = tpu.memref_slice %arg12[%mul3A_2] : memref<40960xf32, #tpu.memory_space<hbm>> -> memref<1280xf32, #tpu.memory_space<hbm>>
      tpu.wait_dma2 semaphore(%run_scoped3A : memref<!tpu.dma_semaphore, #tpu.memory_space<semaphore_mem>>) src(%arg22 : memref<1280xf32, #tpu.memory_space<vmem>>) dst(%dma_wait3A_10 : memref<1280xf32, #tpu.memory_space<hbm>>)
      tpu.yield
    }) : () -> ()
    "tpu.region"() ({
      %run_scoped3A = tpu.sem_alloc : memref<!tpu.dma_semaphore, #tpu.memory_space<semaphore_mem>>
      %dma_start3A = tpu.memref_slice %arg13[%mul3A_2] : memref<40960xf32, #tpu.memory_space<hbm>> -> memref<1280xf32, #tpu.memory_space<hbm>>
      %dma_start3A_9 = tpu.memref_slice %arg13[%mul3A_2] : memref<40960xf32, #tpu.memory_space<hbm>> -> memref<1280xf32, #tpu.memory_space<hbm>>
      tpu.enqueue_dma source(%arg23 : memref<1280xf32, #tpu.memory_space<vmem>>) target(%dma_start3A_9 : memref<1280xf32, #tpu.memory_space<hbm>>) target_semaphore(%run_scoped3A : memref<!tpu.dma_semaphore, #tpu.memory_space<semaphore_mem>>)
      %dma_wait3A = tpu.memref_slice %arg13[%mul3A_2] : memref<40960xf32, #tpu.memory_space<hbm>> -> memref<1280xf32, #tpu.memory_space<hbm>>
      %dma_wait3A_10 = tpu.memref_slice %arg13[%mul3A_2] : memref<40960xf32, #tpu.memory_space<hbm>> -> memref<1280xf32, #tpu.memory_space<hbm>>
      tpu.wait_dma2 semaphore(%run_scoped3A : memref<!tpu.dma_semaphore, #tpu.memory_space<semaphore_mem>>) src(%arg23 : memref<1280xf32, #tpu.memory_space<vmem>>) dst(%dma_wait3A_10 : memref<1280xf32, #tpu.memory_space<hbm>>)
      tpu.yield
    }) : () -> ()
    "tpu.region"() ({
      %run_scoped3A = tpu.sem_alloc : memref<!tpu.dma_semaphore, #tpu.memory_space<semaphore_mem>>
      %dma_start3A = tpu.memref_slice %arg14[%mul3A_2] : memref<40960xf32, #tpu.memory_space<hbm>> -> memref<1280xf32, #tpu.memory_space<hbm>>
      %dma_start3A_9 = tpu.memref_slice %arg14[%mul3A_2] : memref<40960xf32, #tpu.memory_space<hbm>> -> memref<1280xf32, #tpu.memory_space<hbm>>
      tpu.enqueue_dma source(%arg24 : memref<1280xf32, #tpu.memory_space<vmem>>) target(%dma_start3A_9 : memref<1280xf32, #tpu.memory_space<hbm>>) target_semaphore(%run_scoped3A : memref<!tpu.dma_semaphore, #tpu.memory_space<semaphore_mem>>)
      %dma_wait3A = tpu.memref_slice %arg14[%mul3A_2] : memref<40960xf32, #tpu.memory_space<hbm>> -> memref<1280xf32, #tpu.memory_space<hbm>>
      %dma_wait3A_10 = tpu.memref_slice %arg14[%mul3A_2] : memref<40960xf32, #tpu.memory_space<hbm>> -> memref<1280xf32, #tpu.memory_space<hbm>>
      tpu.wait_dma2 semaphore(%run_scoped3A : memref<!tpu.dma_semaphore, #tpu.memory_space<semaphore_mem>>) src(%arg24 : memref<1280xf32, #tpu.memory_space<vmem>>) dst(%dma_wait3A_10 : memref<1280xf32, #tpu.memory_space<hbm>>)
      tpu.yield
    }) : () -> ()
    "tpu.region"() ({
      %run_scoped3A = tpu.sem_alloc : memref<!tpu.dma_semaphore, #tpu.memory_space<semaphore_mem>>
      %dma_start3A = tpu.memref_slice %arg15[%mul3A_2] : memref<40960xf32, #tpu.memory_space<hbm>> -> memref<1280xf32, #tpu.memory_space<hbm>>
      %dma_start3A_9 = tpu.memref_slice %arg15[%mul3A_2] : memref<40960xf32, #tpu.memory_space<hbm>> -> memref<1280xf32, #tpu.memory_space<hbm>>
      tpu.enqueue_dma source(%arg25 : memref<1280xf32, #tpu.memory_space<vmem>>) target(%dma_start3A_9 : memref<1280xf32, #tpu.memory_space<hbm>>) target_semaphore(%run_scoped3A : memref<!tpu.dma_semaphore, #tpu.memory_space<semaphore_mem>>)
      %dma_wait3A = tpu.memref_slice %arg15[%mul3A_2] : memref<40960xf32, #tpu.memory_space<hbm>> -> memref<1280xf32, #tpu.memory_space<hbm>>
      %dma_wait3A_10 = tpu.memref_slice %arg15[%mul3A_2] : memref<40960xf32, #tpu.memory_space<hbm>> -> memref<1280xf32, #tpu.memory_space<hbm>>
      tpu.wait_dma2 semaphore(%run_scoped3A : memref<!tpu.dma_semaphore, #tpu.memory_space<semaphore_mem>>) src(%arg25 : memref<1280xf32, #tpu.memory_space<vmem>>) dst(%dma_wait3A_10 : memref<1280xf32, #tpu.memory_space<hbm>>)
      tpu.yield
    }) : () -> ()
    "tpu.region"() ({
      %run_scoped3A = tpu.sem_alloc : memref<!tpu.dma_semaphore, #tpu.memory_space<semaphore_mem>>
      %dma_start3A = tpu.memref_slice %arg16[%mul3A_2] : memref<40960xf32, #tpu.memory_space<hbm>> -> memref<1280xf32, #tpu.memory_space<hbm>>
      %dma_start3A_9 = tpu.memref_slice %arg16[%mul3A_2] : memref<40960xf32, #tpu.memory_space<hbm>> -> memref<1280xf32, #tpu.memory_space<hbm>>
      tpu.enqueue_dma source(%arg26 : memref<1280xf32, #tpu.memory_space<vmem>>) target(%dma_start3A_9 : memref<1280xf32, #tpu.memory_space<hbm>>) target_semaphore(%run_scoped3A : memref<!tpu.dma_semaphore, #tpu.memory_space<semaphore_mem>>)
      %dma_wait3A = tpu.memref_slice %arg16[%mul3A_2] : memref<40960xf32, #tpu.memory_space<hbm>> -> memref<1280xf32, #tpu.memory_space<hbm>>
      %dma_wait3A_10 = tpu.memref_slice %arg16[%mul3A_2] : memref<40960xf32, #tpu.memory_space<hbm>> -> memref<1280xf32, #tpu.memory_space<hbm>>
      tpu.wait_dma2 semaphore(%run_scoped3A : memref<!tpu.dma_semaphore, #tpu.memory_space<semaphore_mem>>) src(%arg26 : memref<1280xf32, #tpu.memory_space<vmem>>) dst(%dma_wait3A_10 : memref<1280xf32, #tpu.memory_space<hbm>>)
      tpu.yield
    }) : () -> ()
    "tpu.region"() ({
      %run_scoped3A = tpu.sem_alloc : memref<!tpu.dma_semaphore, #tpu.memory_space<semaphore_mem>>
      %dma_start3A = tpu.memref_slice %arg17[%mul3A_2] : memref<40960xf32, #tpu.memory_space<hbm>> -> memref<1280xf32, #tpu.memory_space<hbm>>
      %dma_start3A_9 = tpu.memref_slice %arg17[%mul3A_2] : memref<40960xf32, #tpu.memory_space<hbm>> -> memref<1280xf32, #tpu.memory_space<hbm>>
      tpu.enqueue_dma source(%arg27 : memref<1280xf32, #tpu.memory_space<vmem>>) target(%dma_start3A_9 : memref<1280xf32, #tpu.memory_space<hbm>>) target_semaphore(%run_scoped3A : memref<!tpu.dma_semaphore, #tpu.memory_space<semaphore_mem>>)
      %dma_wait3A = tpu.memref_slice %arg17[%mul3A_2] : memref<40960xf32, #tpu.memory_space<hbm>> -> memref<1280xf32, #tpu.memory_space<hbm>>
      %dma_wait3A_10 = tpu.memref_slice %arg17[%mul3A_2] : memref<40960xf32, #tpu.memory_space<hbm>> -> memref<1280xf32, #tpu.memory_space<hbm>>
      tpu.wait_dma2 semaphore(%run_scoped3A : memref<!tpu.dma_semaphore, #tpu.memory_space<semaphore_mem>>) src(%arg27 : memref<1280xf32, #tpu.memory_space<vmem>>) dst(%dma_wait3A_10 : memref<1280xf32, #tpu.memory_space<hbm>>)
      tpu.yield
    }) : () -> ()
    "tpu.region"() ({
      %run_scoped3A = tpu.sem_alloc : memref<!tpu.dma_semaphore, #tpu.memory_space<semaphore_mem>>
      %dma_start3A = tpu.memref_slice %arg18[%mul3A_2] : memref<40960xf32, #tpu.memory_space<hbm>> -> memref<1280xf32, #tpu.memory_space<hbm>>
      %dma_start3A_9 = tpu.memref_slice %arg18[%mul3A_2] : memref<40960xf32, #tpu.memory_space<hbm>> -> memref<1280xf32, #tpu.memory_space<hbm>>
      tpu.enqueue_dma source(%arg28 : memref<1280xf32, #tpu.memory_space<vmem>>) target(%dma_start3A_9 : memref<1280xf32, #tpu.memory_space<hbm>>) target_semaphore(%run_scoped3A : memref<!tpu.dma_semaphore, #tpu.memory_space<semaphore_mem>>)
      %dma_wait3A = tpu.memref_slice %arg18[%mul3A_2] : memref<40960xf32, #tpu.memory_space<hbm>> -> memref<1280xf32, #tpu.memory_space<hbm>>
      %dma_wait3A_10 = tpu.memref_slice %arg18[%mul3A_2] : memref<40960xf32, #tpu.memory_space<hbm>> -> memref<1280xf32, #tpu.memory_space<hbm>>
      tpu.wait_dma2 semaphore(%run_scoped3A : memref<!tpu.dma_semaphore, #tpu.memory_space<semaphore_mem>>) src(%arg28 : memref<1280xf32, #tpu.memory_space<vmem>>) dst(%dma_wait3A_10 : memref<1280xf32, #tpu.memory_space<hbm>>)
      tpu.yield
    }) : () -> ()
    "tpu.region"() ({
      %run_scoped3A = tpu.sem_alloc : memref<!tpu.dma_semaphore, #tpu.memory_space<semaphore_mem>>
      %dma_start3A = tpu.memref_slice %arg19[%mul3A_2] : memref<40960xf32, #tpu.memory_space<hbm>> -> memref<1280xf32, #tpu.memory_space<hbm>>
      %dma_start3A_9 = tpu.memref_slice %arg19[%mul3A_2] : memref<40960xf32, #tpu.memory_space<hbm>> -> memref<1280xf32, #tpu.memory_space<hbm>>
      tpu.enqueue_dma source(%arg29 : memref<1280xf32, #tpu.memory_space<vmem>>) target(%dma_start3A_9 : memref<1280xf32, #tpu.memory_space<hbm>>) target_semaphore(%run_scoped3A : memref<!tpu.dma_semaphore, #tpu.memory_space<semaphore_mem>>)
      %dma_wait3A = tpu.memref_slice %arg19[%mul3A_2] : memref<40960xf32, #tpu.memory_space<hbm>> -> memref<1280xf32, #tpu.memory_space<hbm>>
      %dma_wait3A_10 = tpu.memref_slice %arg19[%mul3A_2] : memref<40960xf32, #tpu.memory_space<hbm>> -> memref<1280xf32, #tpu.memory_space<hbm>>
      tpu.wait_dma2 semaphore(%run_scoped3A : memref<!tpu.dma_semaphore, #tpu.memory_space<semaphore_mem>>) src(%arg29 : memref<1280xf32, #tpu.memory_space<vmem>>) dst(%dma_wait3A_10 : memref<1280xf32, #tpu.memory_space<hbm>>)
      tpu.yield
    }) : () -> ()
    return
  }
}

module attributes {stable_mosaic.version = 14 : i64} {
  func.func @_amax_body(%arg0: i32, %arg1: memref<8x1024x90xf32, #tpu.memory_space<vmem>>, %arg2: memref<8x3x1024xf32, #tpu.memory_space<vmem>>) attributes {dimension_semantics = [#tpu.dimension_semantics<arbitrary>], iteration_bounds = array<i64: 48>, scalar_prefetch = 0 : i64, scratch_operands = 0 : i64, tpu.core_type = #tpu.core_type<tc>, window_params = [{transform_indices = @transform_0, window_bounds = array<i64: 8, 1024, 90>}, {transform_indices = @transform_1, window_bounds = array<i64: 8, 3, 1024>}]} {
    %get3A = arith.constant 0 : index
    %get3A_0 = arith.constant 0 : index
    %get3A_1 = arith.constant 0 : index
    %get3A_2 = vector.load %arg1[%get3A, %get3A_0, %get3A_1] : memref<8x1024x90xf32, #tpu.memory_space<vmem>>, vector<8x1024x90xf32>
    %slice3A = vector.extract_strided_slice %get3A_2 {offsets = [0, 0, 0], sizes = [8, 1024, 30], strides = [1, 1, 1]} : vector<8x1024x90xf32> to vector<8x1024x30xf32>
    %reduce_max3A = arith.constant dense<0xFF800000> : vector<8x1024xf32>
    %reduce_max3A_3 = vector.multi_reduction <maximumf>, %slice3A, %reduce_max3A [2] : vector<8x1024x30xf32> to vector<8x1024xf32>
    %slice3A_4 = vector.extract_strided_slice %get3A_2 {offsets = [0, 0, 30], sizes = [8, 1024, 30], strides = [1, 1, 1]} : vector<8x1024x90xf32> to vector<8x1024x30xf32>
    %reduce_max3A_5 = arith.constant dense<0xFF800000> : vector<8x1024xf32>
    %reduce_max3A_6 = vector.multi_reduction <maximumf>, %slice3A_4, %reduce_max3A_5 [2] : vector<8x1024x30xf32> to vector<8x1024xf32>
    %slice3A_7 = vector.extract_strided_slice %get3A_2 {offsets = [0, 0, 60], sizes = [8, 1024, 30], strides = [1, 1, 1]} : vector<8x1024x90xf32> to vector<8x1024x30xf32>
    %reduce_max3A_8 = arith.constant dense<0xFF800000> : vector<8x1024xf32>
    %reduce_max3A_9 = vector.multi_reduction <maximumf>, %slice3A_7, %reduce_max3A_8 [2] : vector<8x1024x30xf32> to vector<8x1024xf32>
    %stack3A = vector.shape_cast %reduce_max3A_3 : vector<8x1024xf32> to vector<8x1x1024xf32>
    %stack3A_10 = vector.shape_cast %reduce_max3A_6 : vector<8x1024xf32> to vector<8x1x1024xf32>
    %stack3A_11 = vector.shape_cast %reduce_max3A_9 : vector<8x1024xf32> to vector<8x1x1024xf32>
    %stack3A_12 = tpu.concatenate %stack3A, %stack3A_10, %stack3A_11 in 1 : vector<8x1x1024xf32>, vector<8x1x1024xf32>, vector<8x1x1024xf32> -> vector<8x3x1024xf32>
    %swap3A = arith.constant 0 : index
    %swap3A_13 = arith.constant 0 : index
    %swap3A_14 = arith.constant 0 : index
    %swap3A_15 = vector.load %arg2[%swap3A, %swap3A_13, %swap3A_14] : memref<8x3x1024xf32, #tpu.memory_space<vmem>>, vector<8x3x1024xf32>
    tpu.vector_store %arg2[%swap3A, %swap3A_13, %swap3A_14], %stack3A_12 {strides = array<i32>} : memref<8x3x1024xf32, #tpu.memory_space<vmem>>, vector<8x3x1024xf32>,
    return
  }
  func.func @transform_0(%arg0: i32) -> (i32, i32, i32) {
    %c0_i32 = arith.constant 0 : i32
    %c0_i32_0 = arith.constant 0 : i32
    %c0_i32_1 = arith.constant 0 : i32
    return %c0_i32, %arg0, %c0_i32_0 : i32, i32, i32
  }
  func.func @transform_1(%arg0: i32) -> (i32, i32, i32) {
    %c0_i32 = arith.constant 0 : i32
    %c0_i32_0 = arith.constant 0 : i32
    %c0_i32_1 = arith.constant 0 : i32
    return %c0_i32, %c0_i32_0, %arg0 : i32, i32, i32
  }
}

module attributes {stable_mosaic.version = 14 : i64} {
  func.func @_nms_body(%arg0: memref<8x5000xf32, #tpu.memory_space<vmem>>, %arg1: memref<8x5000xf32, #tpu.memory_space<vmem>>, %arg2: memref<8x5000xf32, #tpu.memory_space<vmem>>, %arg3: memref<8x5000xf32, #tpu.memory_space<vmem>>, %arg4: memref<8x5000xf32, #tpu.memory_space<vmem>>, %arg5: memref<8x5000xf32, #tpu.memory_space<vmem>>, %arg6: memref<8x5000xf32, #tpu.memory_space<vmem>>, %arg7: memref<8x5000xf32, #tpu.memory_space<vmem>>, %arg8: memref<8x5000xf32, #tpu.memory_space<vmem>>, %arg9: memref<8x5000xf32, #tpu.memory_space<vmem>>, %arg10: memref<8x1xf32, #tpu.memory_space<vmem>>, %arg11: memref<8x100x6xf32, #tpu.memory_space<vmem>>) attributes {dimension_semantics = [], scalar_prefetch = 0 : i64, scratch_operands = 0 : i64, tpu.core_type = #tpu.core_type<tc>} {
    %get3A = arith.constant 0 : index
    %get3A_0 = arith.constant 0 : index
    %get3A_1 = vector.load %arg0[%get3A, %get3A_0] : memref<8x5000xf32, #tpu.memory_space<vmem>>, vector<8x5000xf32>
    %get3A_2 = arith.constant 0 : index
    %get3A_3 = arith.constant 0 : index
    %get3A_4 = vector.load %arg1[%get3A_2, %get3A_3] : memref<8x5000xf32, #tpu.memory_space<vmem>>, vector<8x5000xf32>
    %get3A_5 = arith.constant 0 : index
    %get3A_6 = arith.constant 0 : index
    %get3A_7 = vector.load %arg2[%get3A_5, %get3A_6] : memref<8x5000xf32, #tpu.memory_space<vmem>>, vector<8x5000xf32>
    %get3A_8 = arith.constant 0 : index
    %get3A_9 = arith.constant 0 : index
    %get3A_10 = vector.load %arg3[%get3A_8, %get3A_9] : memref<8x5000xf32, #tpu.memory_space<vmem>>, vector<8x5000xf32>
    %get3A_11 = arith.constant 0 : index
    %get3A_12 = arith.constant 0 : index
    %get3A_13 = vector.load %arg4[%get3A_11, %get3A_12] : memref<8x5000xf32, #tpu.memory_space<vmem>>, vector<8x5000xf32>
    %get3A_14 = arith.constant 0 : index
    %get3A_15 = arith.constant 0 : index
    %get3A_16 = vector.load %arg5[%get3A_14, %get3A_15] : memref<8x5000xf32, #tpu.memory_space<vmem>>, vector<8x5000xf32>
    %get3A_17 = arith.constant 0 : index
    %get3A_18 = arith.constant 0 : index
    %get3A_19 = vector.load %arg6[%get3A_17, %get3A_18] : memref<8x5000xf32, #tpu.memory_space<vmem>>, vector<8x5000xf32>
    %get3A_20 = arith.constant 0 : index
    %get3A_21 = arith.constant 0 : index
    %get3A_22 = vector.load %arg7[%get3A_20, %get3A_21] : memref<8x5000xf32, #tpu.memory_space<vmem>>, vector<8x5000xf32>
    %get3A_23 = arith.constant 0 : index
    %get3A_24 = arith.constant 0 : index
    %get3A_25 = vector.load %arg9[%get3A_23, %get3A_24] : memref<8x5000xf32, #tpu.memory_space<vmem>>, vector<8x5000xf32>
    %add3A = arith.addf %get3A_13, %get3A_19 : vector<8x5000xf32>
    %mul3A = arith.constant 5.000000e-01 : f32
    %mul3A_26 = vector.broadcast %mul3A : f32 to vector<8x5000xf32>
    %mul3A_27 = arith.mulf %add3A, %mul3A_26 : vector<8x5000xf32>
    %add3A_28 = arith.addf %get3A_16, %get3A_22 : vector<8x5000xf32>
    %mul3A_29 = arith.constant 5.000000e-01 : f32
    %mul3A_30 = vector.broadcast %mul3A_29 : f32 to vector<8x5000xf32>
    %mul3A_31 = arith.mulf %add3A_28, %mul3A_30 : vector<8x5000xf32>
    %sub3A = arith.subf %get3A_19, %get3A_13 : vector<8x5000xf32>
    %sub3A_32 = arith.subf %get3A_22, %get3A_16 : vector<8x5000xf32>
    %exp3A = math.exp %get3A_7 : vector<8x5000xf32>
    %mul3A_33 = arith.mulf %exp3A, %sub3A : vector<8x5000xf32>
    %exp3A_34 = math.exp %get3A_10 : vector<8x5000xf32>
    %mul3A_35 = arith.mulf %exp3A_34, %sub3A_32 : vector<8x5000xf32>
    %mul3A_36 = arith.mulf %get3A_1, %sub3A : vector<8x5000xf32>
    %add3A_37 = arith.addf %mul3A_36, %mul3A_27 : vector<8x5000xf32>
    %mul3A_38 = arith.mulf %get3A_4, %sub3A_32 : vector<8x5000xf32>
    %add3A_39 = arith.addf %mul3A_38, %mul3A_31 : vector<8x5000xf32>
    %mul3A_40 = arith.constant 5.000000e-01 : f32
    %mul3A_41 = vector.broadcast %mul3A_40 : f32 to vector<8x5000xf32>
    %mul3A_42 = arith.mulf %mul3A_33, %mul3A_41 : vector<8x5000xf32>
    %sub3A_43 = arith.subf %add3A_37, %mul3A_42 : vector<8x5000xf32>
    %mul3A_44 = arith.constant 5.000000e-01 : f32
    %mul3A_45 = vector.broadcast %mul3A_44 : f32 to vector<8x5000xf32>
    %mul3A_46 = arith.mulf %mul3A_35, %mul3A_45 : vector<8x5000xf32>
    %sub3A_47 = arith.subf %add3A_39, %mul3A_46 : vector<8x5000xf32>
    %mul3A_48 = arith.constant 5.000000e-01 : f32
    %mul3A_49 = vector.broadcast %mul3A_48 : f32 to vector<8x5000xf32>
    %mul3A_50 = arith.mulf %mul3A_33, %mul3A_49 : vector<8x5000xf32>
    %add3A_51 = arith.addf %add3A_37, %mul3A_50 : vector<8x5000xf32>
    %mul3A_52 = arith.constant 5.000000e-01 : f32
    %mul3A_53 = vector.broadcast %mul3A_52 : f32 to vector<8x5000xf32>
    %mul3A_54 = arith.mulf %mul3A_35, %mul3A_53 : vector<8x5000xf32>
    %add3A_55 = arith.addf %add3A_39, %mul3A_54 : vector<8x5000xf32>
    %iota3A = tpu.iota {dimensions = array<i32: 1>} : vector<8x5000xi32>
    %lt3A = arith.constant 5000 : i32
    %lt3A_56 = vector.broadcast %lt3A : i32 to vector<8x5000xi32>
    %lt3A_57 = arith.cmpi slt, %iota3A, %lt3A_56 : vector<8x5000xi32>
    %get3A_58 = arith.constant 0 : index
    %get3A_59 = arith.constant 0 : index
    %get3A_60 = vector.load %arg8[%get3A_58, %get3A_59] : memref<8x5000xf32, #tpu.memory_space<vmem>>, vector<8x5000xf32>
    %logistic3A = arith.negf %get3A_60 : vector<8x5000xf32>
    %logistic3A_61 = math.exp %logistic3A : vector<8x5000xf32>
    %logistic3A_62 = arith.constant 1.000000e+00 : f32
    %logistic3A_63 = vector.broadcast %logistic3A_62 : f32 to vector<8x5000xf32>
    %logistic3A_64 = arith.addf %logistic3A_63, %logistic3A_61 : vector<8x5000xf32>
    %logistic3A_65 = arith.divf %logistic3A_63, %logistic3A_64 : vector<8x5000xf32>
    %jit3A = arith.constant -1.000000e+30 : f32
    %broadcast_in_dim3A = vector.broadcast %jit3A : f32 to vector<8x5000xf32>
    %select_n3A = arith.select %lt3A_57, %logistic3A_65, %broadcast_in_dim3A : vector<8x5000xi1>, vector<8x5000xf32>
    %mul3A_66 = arith.constant 1.000000e+04 : f32
    %mul3A_67 = vector.broadcast %mul3A_66 : f32 to vector<8x5000xf32>
    %mul3A_68 = arith.mulf %get3A_25, %mul3A_67 : vector<8x5000xf32>
    %add3A_69 = arith.addf %sub3A_43, %mul3A_68 : vector<8x5000xf32>
    %add3A_70 = arith.addf %sub3A_47, %mul3A_68 : vector<8x5000xf32>
    %add3A_71 = arith.addf %add3A_51, %mul3A_68 : vector<8x5000xf32>
    %add3A_72 = arith.addf %add3A_55, %mul3A_68 : vector<8x5000xf32>
    %sub3A_73 = arith.subf %add3A_71, %add3A_69 : vector<8x5000xf32>
    %sub3A_74 = arith.subf %add3A_72, %add3A_70 : vector<8x5000xf32>
    %mul3A_75 = arith.mulf %sub3A_73, %sub3A_74 : vector<8x5000xf32>
    %get3A_76 = arith.constant 0 : index
    %get3A_77 = arith.constant 0 : index
    %get3A_78 = vector.load %arg10[%get3A_76, %get3A_77] : memref<8x1xf32, #tpu.memory_space<vmem>>, vector<8x1xf32>
    %scan3A = arith.constant 0 : i32
    %scan3A_79 = arith.constant 100 : i32
    %scan3A_80 = arith.addi %scan3A, %scan3A_79 : i32
    %scan3A_81 = arith.constant 1 : i32
    %scan3A_82 = scf.for %scan3A_84 = %scan3A to %scan3A_80 step %scan3A_81 iter_args(%scan3A_85 = %select_n3A) -> (vector<8x5000xf32>)  : i32 {
      %reduce_max3A = arith.constant dense<0xFF800000> : vector<8xf32>
      %reduce_max3A_86 = vector.multi_reduction <maximumf>, %scan3A_85, %reduce_max3A [1] : vector<8x5000xf32> to vector<8xf32>
      %broadcast_in_dim3A_87 = vector.shape_cast %reduce_max3A_86 : vector<8xf32> to vector<8x1xf32>
      %eq3A = vector.broadcast %broadcast_in_dim3A_87 : vector<8x1xf32> to vector<8x5000xf32>
      %eq3A_88 = arith.cmpf oeq, %scan3A_85, %eq3A : vector<8x5000xf32>
      %jit3A_89 = arith.constant 5000 : i32
      %broadcast_in_dim3A_90 = vector.broadcast %jit3A_89 : i32 to vector<8x5000xi32>
      %select_n3A_91 = arith.select %eq3A_88, %iota3A, %broadcast_in_dim3A_90 : vector<8x5000xi1>, vector<8x5000xi32>
      %reduce_min3A = arith.constant dense<2147483647> : vector<8xi32>
      %reduce_min3A_92 = vector.multi_reduction <minsi>, %select_n3A_91, %reduce_min3A [1] : vector<8x5000xi32> to vector<8xi32>
      %broadcast_in_dim3A_93 = vector.shape_cast %reduce_min3A_92 : vector<8xi32> to vector<8x1xi32>
      %eq3A_94 = vector.broadcast %broadcast_in_dim3A_93 : vector<8x1xi32> to vector<8x5000xi32>
      %eq3A_95 = arith.cmpi eq, %iota3A, %eq3A_94 : vector<8x5000xi32>
      %jit3A_96 = arith.constant 0.000000e+00 : f32
      %broadcast_in_dim3A_97 = vector.broadcast %jit3A_96 : f32 to vector<8x5000xf32>
      %select_n3A_98 = arith.select %eq3A_95, %add3A_69, %broadcast_in_dim3A_97 : vector<8x5000xi1>, vector<8x5000xf32>
      %reduce_sum3A = arith.constant dense<0.000000e+00> : vector<8xf32>
      %reduce_sum3A_99 = vector.multi_reduction <add>, %select_n3A_98, %reduce_sum3A [1] : vector<8x5000xf32> to vector<8xf32>
      %broadcast_in_dim3A_100 = vector.shape_cast %reduce_sum3A_99 : vector<8xf32> to vector<8x1xf32>
      %jit3A_101 = arith.constant 0.000000e+00 : f32
      %broadcast_in_dim3A_102 = vector.broadcast %jit3A_101 : f32 to vector<8x5000xf32>
      %select_n3A_103 = arith.select %eq3A_95, %add3A_70, %broadcast_in_dim3A_102 : vector<8x5000xi1>, vector<8x5000xf32>
      %reduce_sum3A_104 = arith.constant dense<0.000000e+00> : vector<8xf32>
      %reduce_sum3A_105 = vector.multi_reduction <add>, %select_n3A_103, %reduce_sum3A_104 [1] : vector<8x5000xf32> to vector<8xf32>
      %broadcast_in_dim3A_106 = vector.shape_cast %reduce_sum3A_105 : vector<8xf32> to vector<8x1xf32>
      %jit3A_107 = arith.constant 0.000000e+00 : f32
      %broadcast_in_dim3A_108 = vector.broadcast %jit3A_107 : f32 to vector<8x5000xf32>
      %select_n3A_109 = arith.select %eq3A_95, %add3A_71, %broadcast_in_dim3A_108 : vector<8x5000xi1>, vector<8x5000xf32>
      %reduce_sum3A_110 = arith.constant dense<0.000000e+00> : vector<8xf32>
      %reduce_sum3A_111 = vector.multi_reduction <add>, %select_n3A_109, %reduce_sum3A_110 [1] : vector<8x5000xf32> to vector<8xf32>
      %broadcast_in_dim3A_112 = vector.shape_cast %reduce_sum3A_111 : vector<8xf32> to vector<8x1xf32>
      %jit3A_113 = arith.constant 0.000000e+00 : f32
      %broadcast_in_dim3A_114 = vector.broadcast %jit3A_113 : f32 to vector<8x5000xf32>
      %select_n3A_115 = arith.select %eq3A_95, %add3A_72, %broadcast_in_dim3A_114 : vector<8x5000xi1>, vector<8x5000xf32>
      %reduce_sum3A_116 = arith.constant dense<0.000000e+00> : vector<8xf32>
      %reduce_sum3A_117 = vector.multi_reduction <add>, %select_n3A_115, %reduce_sum3A_116 [1] : vector<8x5000xf32> to vector<8xf32>
      %broadcast_in_dim3A_118 = vector.shape_cast %reduce_sum3A_117 : vector<8xf32> to vector<8x1xf32>
      %max3A = vector.broadcast %broadcast_in_dim3A_100 : vector<8x1xf32> to vector<8x5000xf32>
      %max3A_119 = arith.maximumf %max3A, %add3A_69 : vector<8x5000xf32>
      %max3A_120 = vector.broadcast %broadcast_in_dim3A_106 : vector<8x1xf32> to vector<8x5000xf32>
      %max3A_121 = arith.maximumf %max3A_120, %add3A_70 : vector<8x5000xf32>
      %min3A = vector.broadcast %broadcast_in_dim3A_112 : vector<8x1xf32> to vector<8x5000xf32>
      %min3A_122 = arith.minimumf %min3A, %add3A_71 : vector<8x5000xf32>
      %min3A_123 = vector.broadcast %broadcast_in_dim3A_118 : vector<8x1xf32> to vector<8x5000xf32>
      %min3A_124 = arith.minimumf %min3A_123, %add3A_72 : vector<8x5000xf32>
      %sub3A_125 = arith.subf %min3A_122, %max3A_119 : vector<8x5000xf32>
      %max3A_126 = arith.constant 0.000000e+00 : f32
      %max3A_127 = vector.broadcast %max3A_126 : f32 to vector<8x5000xf32>
      %max3A_128 = arith.maximumf %sub3A_125, %max3A_127 : vector<8x5000xf32>
      %sub3A_129 = arith.subf %min3A_124, %max3A_121 : vector<8x5000xf32>
      %max3A_130 = arith.constant 0.000000e+00 : f32
      %max3A_131 = vector.broadcast %max3A_130 : f32 to vector<8x5000xf32>
      %max3A_132 = arith.maximumf %sub3A_129, %max3A_131 : vector<8x5000xf32>
      %mul3A_133 = arith.mulf %max3A_128, %max3A_132 : vector<8x5000xf32>
      %sub3A_134 = arith.subf %broadcast_in_dim3A_112, %broadcast_in_dim3A_100 : vector<8x1xf32>
      %sub3A_135 = arith.subf %broadcast_in_dim3A_118, %broadcast_in_dim3A_106 : vector<8x1xf32>
      %mul3A_136 = arith.mulf %sub3A_134, %sub3A_135 : vector<8x1xf32>
      %add3A_137 = vector.broadcast %mul3A_136 : vector<8x1xf32> to vector<8x5000xf32>
      %add3A_138 = arith.addf %add3A_137, %mul3A_75 : vector<8x5000xf32>
      %sub3A_139 = arith.subf %add3A_138, %mul3A_133 : vector<8x5000xf32>
      %add3A_140 = arith.constant 9.99999993E-9 : f32
      %add3A_141 = vector.broadcast %add3A_140 : f32 to vector<8x5000xf32>
      %add3A_142 = arith.addf %sub3A_139, %add3A_141 : vector<8x5000xf32>
      %div3A = arith.divf %mul3A_133, %add3A_142 : vector<8x5000xf32>
      %jit3A_143 = arith.constant 0.000000e+00 : f32
      %broadcast_in_dim3A_144 = vector.broadcast %jit3A_143 : f32 to vector<8x5000xf32>
      %select_n3A_145 = arith.select %eq3A_95, %scan3A_85, %broadcast_in_dim3A_144 : vector<8x5000xi1>, vector<8x5000xf32>
      %reduce_sum3A_146 = arith.constant dense<0.000000e+00> : vector<8xf32>
      %reduce_sum3A_147 = vector.multi_reduction <add>, %select_n3A_145, %reduce_sum3A_146 [1] : vector<8x5000xf32> to vector<8xf32>
      %broadcast_in_dim3A_148 = vector.shape_cast %reduce_sum3A_147 : vector<8xf32> to vector<8x1xf32>
      %jit3A_149 = arith.constant 0.000000e+00 : f32
      %broadcast_in_dim3A_150 = vector.broadcast %jit3A_149 : f32 to vector<8x5000xf32>
      %select_n3A_151 = arith.select %eq3A_95, %sub3A_43, %broadcast_in_dim3A_150 : vector<8x5000xi1>, vector<8x5000xf32>
      %reduce_sum3A_152 = arith.constant dense<0.000000e+00> : vector<8xf32>
      %reduce_sum3A_153 = vector.multi_reduction <add>, %select_n3A_151, %reduce_sum3A_152 [1] : vector<8x5000xf32> to vector<8xf32>
      %broadcast_in_dim3A_154 = vector.shape_cast %reduce_sum3A_153 : vector<8xf32> to vector<8x1xf32>
      %mul3A_155 = arith.mulf %broadcast_in_dim3A_154, %get3A_78 : vector<8x1xf32>
      %jit3A_156 = arith.constant 0.000000e+00 : f32
      %broadcast_in_dim3A_157 = vector.broadcast %jit3A_156 : f32 to vector<8x5000xf32>
      %select_n3A_158 = arith.select %eq3A_95, %sub3A_47, %broadcast_in_dim3A_157 : vector<8x5000xi1>, vector<8x5000xf32>
      %reduce_sum3A_159 = arith.constant dense<0.000000e+00> : vector<8xf32>
      %reduce_sum3A_160 = vector.multi_reduction <add>, %select_n3A_158, %reduce_sum3A_159 [1] : vector<8x5000xf32> to vector<8xf32>
      %broadcast_in_dim3A_161 = vector.shape_cast %reduce_sum3A_160 : vector<8xf32> to vector<8x1xf32>
      %mul3A_162 = arith.mulf %broadcast_in_dim3A_161, %get3A_78 : vector<8x1xf32>
      %jit3A_163 = arith.constant 0.000000e+00 : f32
      %broadcast_in_dim3A_164 = vector.broadcast %jit3A_163 : f32 to vector<8x5000xf32>
      %select_n3A_165 = arith.select %eq3A_95, %add3A_51, %broadcast_in_dim3A_164 : vector<8x5000xi1>, vector<8x5000xf32>
      %reduce_sum3A_166 = arith.constant dense<0.000000e+00> : vector<8xf32>
      %reduce_sum3A_167 = vector.multi_reduction <add>, %select_n3A_165, %reduce_sum3A_166 [1] : vector<8x5000xf32> to vector<8xf32>
      %broadcast_in_dim3A_168 = vector.shape_cast %reduce_sum3A_167 : vector<8xf32> to vector<8x1xf32>
      %mul3A_169 = arith.mulf %broadcast_in_dim3A_168, %get3A_78 : vector<8x1xf32>
      %jit3A_170 = arith.constant 0.000000e+00 : f32
      %broadcast_in_dim3A_171 = vector.broadcast %jit3A_170 : f32 to vector<8x5000xf32>
      %select_n3A_172 = arith.select %eq3A_95, %add3A_55, %broadcast_in_dim3A_171 : vector<8x5000xi1>, vector<8x5000xf32>
      %reduce_sum3A_173 = arith.constant dense<0.000000e+00> : vector<8xf32>
      %reduce_sum3A_174 = vector.multi_reduction <add>, %select_n3A_172, %reduce_sum3A_173 [1] : vector<8x5000xf32> to vector<8xf32>
      %broadcast_in_dim3A_175 = vector.shape_cast %reduce_sum3A_174 : vector<8xf32> to vector<8x1xf32>
      %mul3A_176 = arith.mulf %broadcast_in_dim3A_175, %get3A_78 : vector<8x1xf32>
      %jit3A_177 = arith.constant 0.000000e+00 : f32
      %broadcast_in_dim3A_178 = vector.broadcast %jit3A_177 : f32 to vector<8x5000xf32>
      %select_n3A_179 = arith.select %eq3A_95, %get3A_25, %broadcast_in_dim3A_178 : vector<8x5000xi1>, vector<8x5000xf32>
      %reduce_sum3A_180 = arith.constant dense<0.000000e+00> : vector<8xf32>
      %reduce_sum3A_181 = vector.multi_reduction <add>, %select_n3A_179, %reduce_sum3A_180 [1] : vector<8x5000xf32> to vector<8xf32>
      %broadcast_in_dim3A_182 = vector.shape_cast %reduce_sum3A_181 : vector<8xf32> to vector<8x1xf32>
      %add3A_183 = arith.constant 1.000000e+00 : f32
      %add3A_184 = vector.broadcast %add3A_183 : f32 to vector<8x1xf32>
      %add3A_185 = arith.addf %broadcast_in_dim3A_182, %add3A_184 : vector<8x1xf32>
      %concatenate3A = tpu.concatenate %mul3A_155, %mul3A_162, %mul3A_169, %mul3A_176, %broadcast_in_dim3A_148, %add3A_185 in 1 : vector<8x1xf32>, vector<8x1xf32>, vector<8x1xf32>, vector<8x1xf32>, vector<8x1xf32>, vector<8x1xf32> -> vector<8x6xf32>
      %broadcast_in_dim3A_186 = vector.shape_cast %concatenate3A : vector<8x6xf32> to vector<8x1x6xf32>
      %swap3A = arith.constant 0 : index
      %swap3A_187 = arith.index_cast %scan3A_84 : i32 to index
      %swap3A_188 = arith.constant 0 : index
      %swap3A_189 = vector.load %arg11[%swap3A, %swap3A_187, %swap3A_188] : memref<8x100x6xf32, #tpu.memory_space<vmem>>, vector<8x1x6xf32>
      tpu.vector_store %arg11[%swap3A, %swap3A_187, %swap3A_188], %broadcast_in_dim3A_186 {strides = array<i32>} : memref<8x100x6xf32, #tpu.memory_space<vmem>>, vector<8x1x6xf32>,
      %gt3A = arith.constant 5.000000e-01 : f32
      %gt3A_190 = vector.broadcast %gt3A : f32 to vector<8x5000xf32>
      %gt3A_191 = arith.cmpf ogt, %div3A, %gt3A_190 : vector<8x5000xf32>
      %jit3A_192 = arith.constant -1.000000e+00 : f32
      %broadcast_in_dim3A_193 = vector.broadcast %jit3A_192 : f32 to vector<8x5000xf32>
      %select_n3A_194 = arith.select %gt3A_191, %broadcast_in_dim3A_193, %scan3A_85 : vector<8x5000xi1>, vector<8x5000xf32>
      %jit3A_195 = arith.constant -1.000000e+00 : f32
      %broadcast_in_dim3A_196 = vector.broadcast %jit3A_195 : f32 to vector<8x5000xf32>
      %select_n3A_197 = arith.select %eq3A_95, %broadcast_in_dim3A_196, %select_n3A_194 : vector<8x5000xi1>, vector<8x5000xf32>
      scf.yield %select_n3A_197 : vector<8x5000xf32>
    }
    %scan3A_83 = arith.constant 100 : i32
    return
  }
}

</mosaic_0001>

<sc_bundles>
// kernel: gather_offload_async_start.1
scs
__scs_entry_jumppad:
0x0: {  	(pc) =	sbr.rel $0x88, $3  }
0x1: {  	(tag) =	ssettag $0x0;
	lr =	simm.s32 $0x1  }
0x2: {  	[smem:$0x3F96] =	sst lr;
	_ =	strace $0xD0000000  }
0x3: {  	_ = 	snop  }
0x4: {  	_ = 	snop  }
0x5: {  	_ = 	snop  }
0x6: {  	_ = 	snop  }
0x7: {  	_ = 	snop  }
__scs_overlays_trampoline_lowered:
0x8: {  	[smem:$0x3FA5] =	sst s0  }
0x9: {  	[smem:$0x3FA6] =	sst s1  }
0xa: {  	[smem:$0x3FA7] =	sst s2  }
0xb: {  	[smem:$0x3FA8] =	sst s3  }
0xc: {  	[smem:$0x3FA9] =	sst s4  }
0xd: {  	[smem:$0x3FAA] =	sst s5  }
0xe: {  	[smem:$0x3FAB] =	sst s6  }
0xf: {  	[smem:$0x3FAC] =	sst s7  }
0x10: {  	[smem:$0x3FAD] =	sst s8  }
0x11: {  	[smem:$0x3FAE] =	sst s9;
	s0 =	simm.s32 @!p0 $0x0  }
0x12: {  	s1 =	sld [smem:$0x3F94];
	s0 =	simm.s32 @p0 $0x1  }
0x13: {  	[smem:$0x3FAF] =	sst s0;
	s0 =	simm.s32 @!p1 $0x0  }
0x14: {  	s2 =	sld [smem:$0x3F93];
	s0 =	simm.s32 @p1 $0x1  }
0x15: {  	[smem:$0x3FB0] =	sst s0;
	s0 =	simm.s32 @!p2 $0x0  }
0x16: {  	s3 =	sld [smem:$0x3FDB];
	s0 =	simm.s32 @p2 $0x1  }
0x17: {  	s4 =	simm.s32 $0x1BF5;
	[smem:$0x3FB2] =	sst s0  }
0x18: {  	s0 =	sld [smem:$0x3F95];
	_ =	swait.ge [sflag:s4], $0x0  }
0x19: {  	s7 =	sld [smem:$0x3F96]  }
0x1a: {  	s8 =	sadd.s32 $0xFFFFE003, lr  }
0x1b: {  	s9 =	sadd.s32 $0xFFFFFEF7, lr;
	s5 =	simm.s32 $0xFFFFFFFF;
	p2 =	slt.u32 s8, $0xFFFFF086  }
0x1c: {  	p1 =	slt.u32 s9, $0xF7A;
	s5 =	simm.s32 @!p2 $0x0  }
0x1d: {  	s5 =	simm.s32 @p1 $0x1;
	p0 =	seq.s32 s7, s2  }
0x1e: {  	s7 =	smul.u32 @!p0 $0xF7A, s2;
	p2 =	seq.s32 @!p0 s5, $0x0  }
0x1f: {  	s9 =	smul.u32 $0xF7A, s1;
	s8 =	simm.s32 @!p0 $0x1BF5;
	p2 =	por !p2, p0  }
0x20: {  	[sflag:s8] =	ssyncset.s32 @!p0 $0xFFFFF086;
	s6 =	sadd.s32 @!p0 s3, s7;
	s7 =	simm.s32 @!p0 $0x108  }
0x21: {  	s3 =	sadd.s32 s3, s9;
	s6 =	sadd.s32 @!p0 $0x88, s6;
	s7 =	simm.s32 @p2 $0x1082  }
0x22: {  	[simem:s7], [sflag:s8] =	dma.local @!p0 [hbm:s6], $0xF7A  }
0x23: {  	s9 =	sor.u32 $0xD0000000, s2;
	s6 =	simm.s32 $0x108;
	_ =	swait.ge @!p0 [sflag:s8], $0x0  }
0x24: {  	s3 =	sadd.s32 $0x88, s3;
	s6 =	simm.s32 @!p1 $0x1082;
	[sflag:s4] =	ssyncset.s32 $0xFFFFF086  }
0x25: {  	[simem:s6], [sflag:s4] =	dma.local [hbm:s3], $0xF7A  }
0x26: {  	[smem:$0x3F96] =	sst s1;
	(tag) =	ssettag s2;
	_ =	strace s9  }
0x27: {  	s1 =	sld [smem:$0x3FA6]  }
0x28: {  	s2 =	sld [smem:$0x3FA7]  }
0x29: {  	s4 =	sld [smem:$0x3FA9]  }
0x2a: {  	p0 =	seq.s32 s5, $0x0;
	s5 =	sld [smem:$0x3FAA]  }
0x2b: {  	s6 =	sld [smem:$0x3FAB]  }
0x2c: {  	s7 =	sld [smem:$0x3FAC]  }
0x2d: {  	s3 =	simm.s32 $0x108;
	s8 =	sld [smem:$0x3FAD]  }
0x2e: {  	s3 =	simm.s32 @!p0 $0x1082;
	s9 =	sld [smem:$0x3FAE]  }
0x2f: {  	lr =	sadd.s32 s0, s3;
	s0 =	sld [smem:$0x3FA5]  }
0x30: {  	s3 =	sld [smem:$0x3FA8]  }
0x31: {  	[smem:$0x3FB1] =	sst s10  }
0x32: {  	s10 =	sld [smem:$0x3FAF];
	_ =	sdelay $0x3  }
0x33: {  	p0 =	seq.s32 s10, $0x1;
	s10 =	sld [smem:$0x3FB1];
	_ =	sdelay $0x3  }
0x34: {  	[smem:$0x3FB1] =	sst s10  }
0x35: {  	s10 =	sld [smem:$0x3FB0];
	_ =	sdelay $0x3  }
0x36: {  	p1 =	seq.s32 s10, $0x1;
	s10 =	sld [smem:$0x3FB1];
	_ =	sdelay $0x3  }
0x37: {  	[smem:$0x3FB1] =	sst s10  }
0x38: {  	s10 =	sld [smem:$0x3FB2]  }
0x39: {  	_ = 	snop;
	(pc) =	sbr.ind lr, $3  }
0x3a: {  	_ = 	snop  }
0x3b: {  	_ = 	snop  }
0x3c: {  	p2 =	seq.s32 s10, $0x1;
	s10 =	sld [smem:$0x3FB1]  }
0x3d: {  	_ =	shalt  }
0x3e: {  	_ =	shalt  }
0x3f: {  	_ =	shalt  }
0x40: {  	_ =	shalt  }
0x41: {  	_ =	shalt  }
0x42: {  	_ =	shalt  }
0x43: {  	_ =	shalt  }
0x44: {  	_ =	shalt  }
0x45: {  	_ =	shalt  }
0x46: {  	_ =	shalt  }
0x47: {  	_ =	shalt  }
0x48: {  	_ =	shalt  }
0x49: {  	_ =	shalt  }
0x4a: {  	_ =	shalt  }
0x4b: {  	_ =	shalt  }
0x4c: {  	_ =	shalt  }
0x4d: {  	_ =	shalt  }
0x4e: {  	_ =	shalt  }
0x4f: {  	_ =	shalt  }
0x50: {  	_ =	shalt  }
0x51: {  	_ =	shalt  }
0x52: {  	_ =	shalt  }
0x53: {  	_ =	shalt  }
0x54: {  	_ =	shalt  }
0x55: {  	_ =	shalt  }
0x56: {  	_ =	shalt  }
0x57: {  	_ =	shalt  }
0x58: {  	_ =	shalt  }
0x59: {  	_ =	shalt  }
0x5a: {  	_ =	shalt  }
0x5b: {  	_ =	shalt  }
0x5c: {  	_ =	shalt  }
0x5d: {  	_ =	shalt  }
0x5e: {  	_ =	shalt  }
0x5f: {  	_ =	shalt  }
0x60: {  	_ =	shalt  }
0x61: {  	_ =	shalt  }
0x62: {  	_ =	shalt  }
0x63: {  	_ =	shalt  }
0x64: {  	_ =	shalt  }
0x65: {  	_ =	shalt  }
0x66: {  	_ =	shalt  }
0x67: {  	_ =	shalt  }
0x68: {  	_ =	shalt  }
0x69: {  	_ =	shalt  }
0x6a: {  	_ =	shalt  }
0x6b: {  	_ =	shalt  }
0x6c: {  	_ =	shalt  }
0x6d: {  	_ =	shalt  }
0x6e: {  	_ =	shalt  }
0x6f: {  	_ =	shalt  }
0x70: {  	_ =	shalt  }
0x71: {  	_ =	shalt  }
0x72: {  	_ =	shalt  }
0x73: {  	_ =	shalt  }
0x74: {  	_ =	shalt  }
0x75: {  	_ =	shalt  }
0x76: {  	_ =	shalt  }
0x77: {  	_ =	shalt  }
0x78: {  	_ =	shalt  }
0x79: {  	_ =	shalt  }
0x7a: {  	_ =	shalt  }
0x7b: {  	_ =	shalt  }
0x7c: {  	_ =	shalt  }
0x7d: {  	_ =	shalt  }
0x7e: {  	_ =	shalt  }
0x7f: {  	_ =	shalt  }
0x80: {  	_ =	shalt  }
0x81: {  	_ =	shalt  }
0x82: {  	_ =	shalt  }
0x83: {  	_ =	shalt  }
0x84: {  	_ =	shalt  }
0x85: {  	_ =	shalt  }
0x86: {  	_ =	shalt  }
0x87: {  	_ =	shalt  }
.Lfunc_end0:
.L_simem_size_0:
called_computation.2_lowered:
.L_overlay_start_0:
0x88: {  	s2 =	sld [smem:$0x3FD9]  }
0x89: {  	s3 =	sld [smem:$0x3FFE];
	_ =	sdelay $0x1  }
0x8a: {  	s1 =	srdreg.scid  }
0x8b: {  	s0 =	sand.u32 $0x1, s1  }
0x8c: {  	s16 =	sshll.u32 s0, $0xA;
	s2 =	sadd.s32 s3, s2  }
0x8d: {  	s2 =	sadd.s32 s2, s16  }
0x8e: {  	[smem:$0x3FBD] =	sst s2  }
0x8f: {  	_ = 	snop  }
0x90: {  	(tm) =	ssettm $0x1  }
0x91: {  	s17 =	sld [smem:$0x3FFB];
	_ =	sdelay $0x3  }
0x92: {  	_ =	strace s17  }
0x93: {  	s2 =	sld [smem:$0x3FFC];
	_ =	sdelay $0x3  }
0x94: {  	_ =	strace s2  }
0x95: {  	s2 =	sld [smem:$0x3FFD];
	_ =	sdelay $0x3  }
0x96: {  	_ =	strace s2  }
0x97: {  	_ =	strace $0x8FFFFFFF  }
0x98: {  	s18 =	sld [smem:$0x3FDB];
	_ =	sdelay $0x1  }
0x99: {  	s19 =	simm.s32 $_scs_section_size  }
0x9a: {  	s4 =	simm.s32 $_size__tile_overlayer_lowered;
	s5 =	simm.s32 $_tile_overlayer_lowered  }
0x9b: {  	s22 =	simm.s32 $0x1BFF;
	s21 =	sshll.u32 s5, $0x1;
	s2 =	sadd.s32 s19, s18  }
0x9c: {  	s6 =	simm.s32 $0x0;
	s20 =	sshll.u32 s4, $0x1;
	s4 =	sadd.s32 s21, s2  }
0x9d: {  	[timem:s6], [sflag:s22] =	dma.local [hbm:s4], s20  }
0x9e: {  	_ =	swait.ge [sflag:s22], s20  }
0x9f: {  	s3 =	ssub.s32 $0x0, s20;
	[sflag:s22] =	ssyncset.done $0x0  }
0xa0: {  	[sflag:s22] =	ssyncadd.s32 s3;
	_ =	sdelay $0x1  }
0xa1: {  	s23 =	simm.s32 $0x1B8B  }
0xa2: {  	_ =	swait.ge [sflag:s23], $0x1  }
0xa3: {  	[sflag:s23] =	ssyncset.done $0x0  }
0xa4: {  	s25 =	simm.s32 $0x1B8E;
	s24 =	sld [smem:$0x3FFE];
	[sflag:s23] =	ssyncadd.s32 $0xFFFFFFFF  }
0xa5: {  	s26 =	simm.s32 $execute0_lowered;
	[smem:$0x3FD2] =	sst s25  }
0xa6: {  	s4 =	sshll.u32 s26, $0x1;
	_ =	strace $0x8000004C;
	[dreg:$0x1] =	wrdreg $0xFFFFFFFF  }
0xa7: {  	s28 =	simm.s32 $_size_execute0_lowered;
	s2 =	sadd.s32 s2, s4;
	[dreg:$0x0] =	wrdreg $0x0  }
0xa8: {  	s4 =	sshll.u32 s28, $0x1;
	[dreg:$0x2] =	wrdreg s2  }
0xa9: {  	[dreg:$0x3] =	wrdreg s4  }
0xaa: {  	[dreg:$0x4] =	wrdreg $0xC0  }
0xab: {  	_ =	task [dreg:s6], $0x5FFFF  }
0xac: {  	[dreg:$0x1] =	wrdreg $0xFFFFFFFF  }
0xad: {  	[dreg:$0x0] =	wrdreg $0x60  }
0xae: {  	[dreg:$0x2] =	wrdreg s24  }
0xaf: {  	[dreg:$0x3] =	wrdreg $0x9  }
0xb0: {  	_ =	task.clear_ibuf [dreg:s6], $0x4FFFF;
	_ =	strace $0x9000004C  }
0xb1: {  	s29 =	simm.s32 $0x9;
	_ =	strace $0x8000004E  }
0xb2: {  	_ =	swait.ge [sflag:s29], $0x1  }
0xb3: {  	[sflag:s29] =	ssyncadd.s32 $0xFFFFFFFF  }
0xb4: {  	_ =	strace $0x9000004E  }
0xb5: {  	_ =	sfence  }
0xb6: {  	s30 =	sld [smem:$0x0];
	_ =	sdelay $0x2  }
0xb7: {  	s31 =	sshll.u32 s1, $0xD;
	s1 =	sshrl.u32 s1, $0x2  }
0xb8: {  	s3 =	sand.u32 $0x4000, s31;
	s1 =	sadd.s32 s1, s30  }
0xb9: {  	s0 =	sor.u32 s3, s0;
	s1 =	sshll.u32 s1, $0x11  }
0xba: {  	s0 =	sor.u32 s1, s0  }
0xbb: {  	s0 =	sadd.s32 $0x8F2B, s0  }
0xbc: {  	[sflag:s0] =	ssyncadd.remote.s32 $0x1  }
0xbd: {  	_ =	sfence.sel $0xFFFF  }
0xbe: {  	[dreg:$0x0] =	wrdreg $0xFFFFFFFF;
	(pc) =	sbr.abs _section_cstart, $3  }
0xbf: {  	[dreg:$0x1] =	wrdreg $0xFFFFFFFF  }
0xc0: {  	_ =	task.clear_ibuf [dreg:s6], $0x2FFFF;
	_ =	strace $0x9FFFFFFF  }
0xc1: {  	(tm) =	ssettm $0x7FFFFFFF  }
tec
execute0_lowered:
.L_overlay_start_1:
0x0: {  	(tag) =	ssettag $0x1  }
0x1: {  	s8 =	rddreg [dreg:$0x0]  }
0x2: {  	s0 =	rddreg [dreg:$0x1];
	_ =	strace $0x8000004D;
	s1 =	stileid.u32  }
0x3: {  	s3 =	srdreg.scid;
	s4 =	simm.s32 $0x1;
	s7 =	simm.s32 $0x1  }
0x4: {  	s9 =	simm.s32 $0x1;
	s10 =	simm.s32 $0x3;
	s13 =	simm.s32 $0x0  }
0x5: {  	s12 =	simm.s32 $0x0;
	s5 =	sand.u32 $0x1, s3;
	s6 =	sshll.u32 s1, $0x1  }
0x6: {  	s2 =	sadd.s32 $0x47F800, s8;
	s3 =	sadd.s32 $0x4ADC00, s8;
	s5 =	sor.u32 s6, s5  }
.Ltmp0:
0x7: {  	[sflag:s4] =	ssyncpa.u1 $0x0;
	p0 =	slt.u32 s5, $0x13;
	(pc) =	sbr.rel .LBB2_1-.Ltmp0, $4  }
0x8: {  	s6 =	simm.s32 $0x2;
	s7 =	simm.s32 @!p0 $0x0;
	p0 =	sne.s32 s5, $0x12  }
0x9: {  	[sflag:s6] =	ssyncpa.u1 $0x0;
	s5 =	smul.u32 $0x320, s5;
	s9 =	simm.s32 @!p0 $0x0  }
0xa: {  	s8 =	sadd.s32 $0x4AF000, s8;
	[sflag:s10] =	ssyncpa.u1 $0x0;
	s7 =	sadd.s32 s9, s7  }
0xb: {  	vm0 =	vmmov $0xffff;
	s10 =	simm.s32 $0x0;
	s11 =	smov.u32 s5;
	s9 =	sadd.s32 $0x1, s7  }
.LBB2_4:
0xc: {  	vm1 =	veq.s32 v4, $0x80000000;
	v56 =	vand.u32 $0x7, v4;
	v6 =	vand.u32 $0x1FFF, v6  }
0xd: {  	v2 =	vor.u32 v2, v5;
	v59 =	vshrl.u32 v1, $0x3;
	v60 =	vand.u32 $0x7, v1  }
0xe: {  	v4 =	vsel vm1, $0xFFFFFFFF, v56;
	v6 =	vsel vm1, $0xFFFFFFFF, v6;
	v2 =	vor.u32 v3, v2  }
0xf: {  	vm1 =	veq.s32 v1, $0x80000000;
	v5 =	vand.u32 $0x1FFF, v59;
	v7 =	vshrl.u32 v4, $0x3  }
0x10: {  	v57 =	vshll.u32 v6, $0x3;
	v4 =	vshll.u32 v4, $0x7;
	v1 =	vsel vm1, $0xFFFFFFFF, v60  }
0x11: {  	v5 =	vsel vm1, $0xFFFFFFFF, v5;
	v6 =	vand.u32 $0x7F, v6;
	v7 =	vmul.u32 $0xA000, v7  }
0x12: {  	v58 =	vand.u32 $0xFFFFFC00, v57;
	v4 =	vand.u32 $0x380, v4;
	v61 =	vshrl.u32 v1, $0x3  }
0x13: {  	v62 =	vshll.u32 v5, $0x3;
	v3 =	vadd.s32 v7, v58;
	v7 =	vmul.u32 $0xA000, v61  }
0x14: {  	v1 =	vshll.u32 v1, $0x7;
	v3 =	vor.u32 v4, v3;
	v4 =	vand.u32 $0xFFFFFC00, v62  }
0x15: {  	v1 =	vand.u32 $0x380, v1;
	v3 =	vor.u32 v6, v3;
	v4 =	vadd.s32 v7, v4  }
0x16: {  	[tilespmem:s16], [sflag:$0x1] =	stream.indirect_vreg.gather [hbm4b:s2+s10], $0x1, v0, vm0, $0x4038;
	v63 =	vand.u32 $0x7F, v5;
	v1 =	vor.u32 v1, v4;
	[tilespmem:$0xC80] =	vst v63  }
0x17: {  	s15 =	sadd.s32 $0x10, s15;
	(ifvalue) =	ssetifvalue $0x7FFFFFFF;
	v0 =	vor.u32 v63, v1  }
0x18: {  	[tilespmem:s15], [sflag:$0x1] =	stream.indirect_vreg.gather [hbm4b:s2+s10], $0x1, v2, vm0, $0x4038;
	[tilespmem:$0xC80] =	vst v63  }
0x19: {  	s15 =	sadd.s32 $0x10, s15;
	(ifvalue) =	ssetifvalue $0x7FFFFFFF  }
0x1a: {  	[tilespmem:s15], [sflag:$0x1] =	stream.indirect_vreg.gather [hbm4b:s2+s10], $0x1, v3, vm0, $0x4038;
	[tilespmem:$0xC80] =	vst v63  }
0x1b: {  	s15 =	sadd.s32 $0x10, s15;
	(ifvalue) =	ssetifvalue $0x7FFFFFFF  }
0x1c: {  	[tilespmem:s15], [sflag:$0x1] =	stream.indirect_vreg.gather [hbm4b:s2+s10], $0x1, v0, vm0, $0x4038;
	[tilespmem:$0xC80] =	vst v63  }
0x1d: {  	_ =	swait.ge [sflag:s4], $0x320  }
0x1e: {  	s30 =	sshrl.u32 s13, $0x3;
	[sflag:s4] =	ssyncset.done $0x0  }
0x1f: {  	s31 =	sand.u32 $0x7, s13;
	s15 =	sadd.s32 s8, s30;
	[sflag:s4] =	ssyncadd.s32 $0xFFFFFCE0  }
0x20: {  	[hbm4b:s15+s31] =	stream.linear.scatter [tilespmem:s14], [sflag:$0x3], $0x320, $0x38;
	[tilespmem:$0xC80] =	vst v63  }
.LBB2_5:
0x21: {  	s15 =	sadd.s32 $0x6400, s11  }
0x22: {  	p1 =	sgt.s32 s15, $0x9C3F  }
0x23: {  	s15 =	smov.u32 @p1 s5;
	p1 =	sne.s32 s12, s9  }
.Ltmp1:
0x24: {  	p0 =	slt.u32 s12, $0x2;
	(pc) =	sbr.rel @!p1 .LBB2_6-.Ltmp1, $4  }
0x25: {  	s14 =	simm.s32 @!p0 $0x3  }
0x26: {  	_ =	swait.ge @!p0 [sflag:s14], $0x320  }
0x27: {  	s16 =	sadd.s32 $0x1, s12;
	s13 =	smov.u32 s11;
	[sflag:s14] =	ssyncset.done @!p0 $0x0  }
0x28: {  	s12 =	smov.u32 s16;
	s11 =	smov.u32 s15;
	[sflag:s14] =	ssyncadd.s32 @!p0 $0xFFFFFCE0  }
.LBB2_1:
0x29: {  	p0 =	sge.u32 s12, s7  }
0x2a: {  	s14 =	sxor.u32 @!p0 $0x1, s12  }
0x2b: {  	s14 =	smul.u32 @!p0 $0xC80, s14  }
0x2c: {  	s31 =	sadd.s32 $0xFFFFFFFF, s12;
	s15 =	sshrl.u32 @!p0 s11, $0x3  }
0x2d: {  	s16 =	sand.u32 @!p0 $0x7, s11;
	s15 =	sadd.s32 @!p0 s3, s15;
	s14 =	sshra.s32 @!p0 s14, $0x2  }
0x2e: {  	[tilespmem:s14], [sflag:$0x2] =	stream.linear.gather @!p0 [hbm4b:s15+s16], $0x320, $0x38;
	[tilespmem:$0xC80] =	vst v63  }
0x2f: {  	p0 =	sge.u32 s31, s7  }
.Ltmp2:
0x30: {  	_ = 	snop;
	(pc) =	sbr.rel @p0 .LBB2_5-.Ltmp2, $1  }
0x31: {  	_ =	sdelay $0x3  }
0x32: {  	s14 =	sand.u32 $0x1, s12  }
0x33: {  	_ =	swait.ge [sflag:s6], $0x320;
	p0 =	seq.s32 s14, $0x1;
	s14 =	simm.s32 $0x320  }
0x34: {  	[sflag:s6] =	ssyncset.done $0x0;
	s14 =	simm.s32 @!p0 $0x0  }
0x35: {  	[sflag:s6] =	ssyncadd.s32 $0xFFFFFCE0;
	(ifvalue) =	ssetifvalue $0x7FFFFFFF;
	v0 =	vld.msk [tilespmem:s14+$0x0 ss:$0x1], $0xffff  }
0x36: {  	s15 =	sadd.s32 $0x10, s14  }
0x37: {  	v1 =	vld.msk [tilespmem:s15+$0x0 ss:$0x1], $0xffff;
	_ =	sdelay $0x2  }
0x38: {  	v2 =	vshrl.u32 v0, $0x3  }
0x39: {  	vm1 =	veq.s32 v0, $0x80000000;
	v0 =	vand.u32 $0x7, v0;
	v2 =	vand.u32 $0x1FFF, v2  }
0x3a: {  	v0 =	vsel vm1, $0xFFFFFFFF, v0;
	v6 =	vshrl.u32 v1, $0x3;
	v2 =	vsel vm1, $0xFFFFFFFF, v2  }
0x3b: {  	v3 =	vshrl.u32 v0, $0x3;
	v0 =	vshll.u32 v0, $0x7;
	vm1 =	veq.s32 v1, $0x80000000  }
0x3c: {  	s15 =	sadd.s32 $0x10, s15;
	v1 =	vand.u32 $0x7, v1;
	v4 =	vshll.u32 v2, $0x3;
	v3 =	vmul.u32 $0xA000, v3  }
0x3d: {  	v0 =	vand.u32 $0x380, v0;
	v7 =	vand.u32 $0x7F, v2;
	v5 =	vand.u32 $0xFFFFFC00, v4;
	v4 =	vld.msk [tilespmem:s15+$0x0 ss:$0x1], $0xffff  }
0x3e: {  	v1 =	vsel vm1, $0xFFFFFFFF, v1;
	v2 =	vadd.s32 v3, v5;
	v3 =	vand.u32 $0x1FFF, v6  }
0x3f: {  	v3 =	vsel vm1, $0xFFFFFFFF, v3;
	v0 =	vor.u32 v0, v2;
	v2 =	vshrl.u32 v1, $0x3  }
0x40: {  	v1 =	vshll.u32 v1, $0x7;
	v5 =	vshll.u32 v3, $0x3;
	v8 =	vmul.u32 $0xA000, v2  }
0x41: {  	s18 =	simm.s32 $0x30;
	s14 =	sadd.s32 $0x640, s14;
	s17 =	sadd.s32 $0x10, s15;
	v2 =	vand.u32 $0x380, v1;
	v0 =	vor.u32 v7, v0;
	v5 =	vand.u32 $0xFFFFFC00, v5  }
0x42: {  	s16 =	smov.u32 s14;
	s15 =	smov.u32 s14;
	v1 =	vld.msk [tilespmem:s17+$0x0 ss:$0x1], $0xffff;
	v3 =	vand.u32 $0x7F, v3;
	(ifvalue) =	ssetifvalue $0x7FFFFFFF;
	v6 =	vshrl.u32 v4, $0x3;
	v5 =	vadd.s32 v8, v5  }
.LBB2_3:
0x43: {  	s18 =	sadd.s32 $0x10, s18  }
0x44: {  	vm1 =	veq.s32 v4, $0x80000000;
	v4 =	vand.u32 $0x7, v4;
	v6 =	vand.u32 $0x1FFF, v6;
	s15 =	sadd.s32 $0x10, s15;
	p0 =	slt.u32 s18, $0x310  }
.Ltmp3:
0x45: {  	v5 =	vor.u32 v2, v5;
	v4 =	vsel vm1, $0xFFFFFFFF, v4;
	v7 =	vsel vm1, $0xFFFFFFFF, v6;
	(pc) =	sbr.rel @p0 .LBB2_3-.Ltmp3, $4  }
0x46: {  	v2 =	vshrl.u32 v4, $0x3;
	v6 =	vshll.u32 v7, $0x3;
	v4 =	vshll.u32 v4, $0x7;
	[tilespmem:s16], [sflag:$0x1] =	stream.indirect_vreg.gather [hbm4b:s2+s10], $0x1, v0, vm0, $0x4038;
	[tilespmem:$0xC80] =	vst v63  }
0x47: {  	v0 =	vor.u32 v3, v5;
	s16 =	smov.u32 s15;
	v8 =	vmul.u32 $0xA000, v2;
	v2 =	vand.u32 $0x380, v4  }
0x48: {  	s17 =	sadd.s32 $0x10, s17;
	v9 =	vand.u32 $0xFFFFFC00, v6  }
0x49: {  	v3 =	vand.u32 $0x7F, v7;
	v6 =	vshrl.u32 v1, $0x3;
	v5 =	vadd.s32 v8, v9;
	(ifvalue) =	ssetifvalue $0x7FFFFFFF;
	v4 =	vmovc v1;
	v1 =	vld.msk [tilespmem:s17+$0x0 ss:$0x1], $0xffff  }
.Ltmp4:
0x4a: {  	_ = 	snop;
	(pc) =	sbr.rel .LBB2_4-.Ltmp4, $1  }
0x4b: {  	_ =	sdelay $0x3  }
.LBB2_6:
0x4c: {  	_ =	sfence.sel $0x180000  }
0x4d: {  	s2 =	simm.s32 $0x2;
	[bflag:$0x0] =	sbarrier.arrive $0xFFFF  }
0x4e: {  	s30 =	simm.s32 $0x3;
	[sflag:s2] =	ssyncpa.u1 $0x1  }
0x4f: {  	s31 =	simm.s32 $0x1;
	[sflag:s30] =	ssyncpa.u1 $0x1  }
0x50: {  	[sflag:s31] =	ssyncpa.u1 $0x1  }
0x51: {  	p0 =	sne.s32 s1, $0x0;
	_ =	strace $0x9000004D  }
0x52: {  	s0 =	sadd.s32 @!p0 $0x100000, s0;
	[bflag:$0x2] =	sbarrier.arrive $0xFFFF  }
0x53: {  	[sflag:s0] =	ssyncadd.tile.s32 @!p0 $0x1;
	_ =	shalt  }
.Lfunc_end2:
_tile_overlayer_lowered:
.L_overlay_start_2:
0x54: {  	(tag) =	ssettag $0x2  }
0x55: {  	s0 =	rddreg [dreg:$0x0];
	s2 =	stileid.u32  }
0x56: {  	s1 =	rddreg [dreg:$0x1];
	p0 =	sne.s32 s2, $0x0  }
0x57: {  	s3 =	rddreg [dreg:$0x2];
	[bflag:$0x3] =	sbarrier.arrive $0xFFFF;
	s2 =	simm.s32 @!p0 $0x1C01  }
0x58: {  	[timem:s3], [sflag:s2] =	dma.local @!p0 [hbm:s0], s1  }
0x59: {  	s0 =	simm.s32 @!p0 $0x1  }
0x5a: {  	_ =	swait.ge @!p0 [sflag:s0], s1  }
0x5b: {  	s1 =	ssub.s32 @!p0 $0x0, s1;
	[sflag:s0] =	ssyncset.done @!p0 $0x0  }
0x5c: {  	[sflag:s0] =	ssyncadd.s32 @!p0 s1  }
0x5d: {  	[bflag:$0x3] =	sbarrier.arrive $0xFFFF  }
0x5e: {  	_ =	shalt  }

// kernel: gather_offload_async_start
scs
__scs_entry_jumppad:
0x0: {  	(pc) =	sbr.rel $0x88, $3  }
0x1: {  	(tag) =	ssettag $0x0;
	lr =	simm.s32 $0x1  }
0x2: {  	[smem:$0x3F96] =	sst lr;
	_ =	strace $0xD0000000  }
0x3: {  	_ = 	snop  }
0x4: {  	_ = 	snop  }
0x5: {  	_ = 	snop  }
0x6: {  	_ = 	snop  }
0x7: {  	_ = 	snop  }
__scs_overlays_trampoline_lowered:
0x8: {  	[smem:$0x3FA5] =	sst s0  }
0x9: {  	[smem:$0x3FA6] =	sst s1  }
0xa: {  	[smem:$0x3FA7] =	sst s2  }
0xb: {  	[smem:$0x3FA8] =	sst s3  }
0xc: {  	[smem:$0x3FA9] =	sst s4  }
0xd: {  	[smem:$0x3FAA] =	sst s5  }
0xe: {  	[smem:$0x3FAB] =	sst s6  }
0xf: {  	[smem:$0x3FAC] =	sst s7  }
0x10: {  	[smem:$0x3FAD] =	sst s8  }
0x11: {  	[smem:$0x3FAE] =	sst s9;
	s0 =	simm.s32 @!p0 $0x0  }
0x12: {  	s1 =	sld [smem:$0x3F94];
	s0 =	simm.s32 @p0 $0x1  }
0x13: {  	[smem:$0x3FAF] =	sst s0;
	s0 =	simm.s32 @!p1 $0x0  }
0x14: {  	s2 =	sld [smem:$0x3F93];
	s0 =	simm.s32 @p1 $0x1  }
0x15: {  	[smem:$0x3FB0] =	sst s0;
	s0 =	simm.s32 @!p2 $0x0  }
0x16: {  	s3 =	sld [smem:$0x3FDB];
	s0 =	simm.s32 @p2 $0x1  }
0x17: {  	s4 =	simm.s32 $0x1BF5;
	[smem:$0x3FB2] =	sst s0  }
0x18: {  	s0 =	sld [smem:$0x3F95];
	_ =	swait.ge [sflag:s4], $0x0  }
0x19: {  	s7 =	sld [smem:$0x3F96]  }
0x1a: {  	s8 =	sadd.s32 $0xFFFFE003, lr  }
0x1b: {  	s9 =	sadd.s32 $0xFFFFFEF7, lr;
	s5 =	simm.s32 $0xFFFFFFFF;
	p2 =	slt.u32 s8, $0xFFFFF086  }
0x1c: {  	p1 =	slt.u32 s9, $0xF7A;
	s5 =	simm.s32 @!p2 $0x0  }
0x1d: {  	s5 =	simm.s32 @p1 $0x1;
	p0 =	seq.s32 s7, s2  }
0x1e: {  	s7 =	smul.u32 @!p0 $0xF7A, s2;
	p2 =	seq.s32 @!p0 s5, $0x0  }
0x1f: {  	s9 =	smul.u32 $0xF7A, s1;
	s8 =	simm.s32 @!p0 $0x1BF5;
	p2 =	por !p2, p0  }
0x20: {  	[sflag:s8] =	ssyncset.s32 @!p0 $0xFFFFF086;
	s6 =	sadd.s32 @!p0 s3, s7;
	s7 =	simm.s32 @!p0 $0x108  }
0x21: {  	s3 =	sadd.s32 s3, s9;
	s6 =	sadd.s32 @!p0 $0x88, s6;
	s7 =	simm.s32 @p2 $0x1082  }
0x22: {  	[simem:s7], [sflag:s8] =	dma.local @!p0 [hbm:s6], $0xF7A  }
0x23: {  	s9 =	sor.u32 $0xD0000000, s2;
	s6 =	simm.s32 $0x108;
	_ =	swait.ge @!p0 [sflag:s8], $0x0  }
0x24: {  	s3 =	sadd.s32 $0x88, s3;
	s6 =	simm.s32 @!p1 $0x1082;
	[sflag:s4] =	ssyncset.s32 $0xFFFFF086  }
0x25: {  	[simem:s6], [sflag:s4] =	dma.local [hbm:s3], $0xF7A  }
0x26: {  	[smem:$0x3F96] =	sst s1;
	(tag) =	ssettag s2;
	_ =	strace s9  }
0x27: {  	s1 =	sld [smem:$0x3FA6]  }
0x28: {  	s2 =	sld [smem:$0x3FA7]  }
0x29: {  	s4 =	sld [smem:$0x3FA9]  }
0x2a: {  	p0 =	seq.s32 s5, $0x0;
	s5 =	sld [smem:$0x3FAA]  }
0x2b: {  	s6 =	sld [smem:$0x3FAB]  }
0x2c: {  	s7 =	sld [smem:$0x3FAC]  }
0x2d: {  	s3 =	simm.s32 $0x108;
	s8 =	sld [smem:$0x3FAD]  }
0x2e: {  	s3 =	simm.s32 @!p0 $0x1082;
	s9 =	sld [smem:$0x3FAE]  }
0x2f: {  	lr =	sadd.s32 s0, s3;
	s0 =	sld [smem:$0x3FA5]  }
0x30: {  	s3 =	sld [smem:$0x3FA8]  }
0x31: {  	[smem:$0x3FB1] =	sst s10  }
0x32: {  	s10 =	sld [smem:$0x3FAF];
	_ =	sdelay $0x3  }
0x33: {  	p0 =	seq.s32 s10, $0x1;
	s10 =	sld [smem:$0x3FB1];
	_ =	sdelay $0x3  }
0x34: {  	[smem:$0x3FB1] =	sst s10  }
0x35: {  	s10 =	sld [smem:$0x3FB0];
	_ =	sdelay $0x3  }
0x36: {  	p1 =	seq.s32 s10, $0x1;
	s10 =	sld [smem:$0x3FB1];
	_ =	sdelay $0x3  }
0x37: {  	[smem:$0x3FB1] =	sst s10  }
0x38: {  	s10 =	sld [smem:$0x3FB2]  }
0x39: {  	_ = 	snop;
	(pc) =	sbr.ind lr, $3  }
0x3a: {  	_ = 	snop  }
0x3b: {  	_ = 	snop  }
0x3c: {  	p2 =	seq.s32 s10, $0x1;
	s10 =	sld [smem:$0x3FB1]  }
0x3d: {  	_ =	shalt  }
0x3e: {  	_ =	shalt  }
0x3f: {  	_ =	shalt  }
0x40: {  	_ =	shalt  }
0x41: {  	_ =	shalt  }
0x42: {  	_ =	shalt  }
0x43: {  	_ =	shalt  }
0x44: {  	_ =	shalt  }
0x45: {  	_ =	shalt  }
0x46: {  	_ =	shalt  }
0x47: {  	_ =	shalt  }
0x48: {  	_ =	shalt  }
0x49: {  	_ =	shalt  }
0x4a: {  	_ =	shalt  }
0x4b: {  	_ =	shalt  }
0x4c: {  	_ =	shalt  }
0x4d: {  	_ =	shalt  }
0x4e: {  	_ =	shalt  }
0x4f: {  	_ =	shalt  }
0x50: {  	_ =	shalt  }
0x51: {  	_ =	shalt  }
0x52: {  	_ =	shalt  }
0x53: {  	_ =	shalt  }
0x54: {  	_ =	shalt  }
0x55: {  	_ =	shalt  }
0x56: {  	_ =	shalt  }
0x57: {  	_ =	shalt  }
0x58: {  	_ =	shalt  }
0x59: {  	_ =	shalt  }
0x5a: {  	_ =	shalt  }
0x5b: {  	_ =	shalt  }
0x5c: {  	_ =	shalt  }
0x5d: {  	_ =	shalt  }
0x5e: {  	_ =	shalt  }
0x5f: {  	_ =	shalt  }
0x60: {  	_ =	shalt  }
0x61: {  	_ =	shalt  }
0x62: {  	_ =	shalt  }
0x63: {  	_ =	shalt  }
0x64: {  	_ =	shalt  }
0x65: {  	_ =	shalt  }
0x66: {  	_ =	shalt  }
0x67: {  	_ =	shalt  }
0x68: {  	_ =	shalt  }
0x69: {  	_ =	shalt  }
0x6a: {  	_ =	shalt  }
0x6b: {  	_ =	shalt  }
0x6c: {  	_ =	shalt  }
0x6d: {  	_ =	shalt  }
0x6e: {  	_ =	shalt  }
0x6f: {  	_ =	shalt  }
0x70: {  	_ =	shalt  }
0x71: {  	_ =	shalt  }
0x72: {  	_ =	shalt  }
0x73: {  	_ =	shalt  }
0x74: {  	_ =	shalt  }
0x75: {  	_ =	shalt  }
0x76: {  	_ =	shalt  }
0x77: {  	_ =	shalt  }
0x78: {  	_ =	shalt  }
0x79: {  	_ =	shalt  }
0x7a: {  	_ =	shalt  }
0x7b: {  	_ =	shalt  }
0x7c: {  	_ =	shalt  }
0x7d: {  	_ =	shalt  }
0x7e: {  	_ =	shalt  }
0x7f: {  	_ =	shalt  }
0x80: {  	_ =	shalt  }
0x81: {  	_ =	shalt  }
0x82: {  	_ =	shalt  }
0x83: {  	_ =	shalt  }
0x84: {  	_ =	shalt  }
0x85: {  	_ =	shalt  }
0x86: {  	_ =	shalt  }
0x87: {  	_ =	shalt  }
.Lfunc_end0:
.L_simem_size_0:
called_computation.1_lowered:
.L_overlay_start_0:
0x88: {  	s2 =	sld [smem:$0x3FD9]  }
0x89: {  	s3 =	sld [smem:$0x3FFE];
	_ =	sdelay $0x1  }
0x8a: {  	s1 =	srdreg.scid  }
0x8b: {  	s0 =	sand.u32 $0x1, s1  }
0x8c: {  	s16 =	sshll.u32 s0, $0xA;
	s2 =	sadd.s32 s3, s2  }
0x8d: {  	s2 =	sadd.s32 s2, s16  }
0x8e: {  	[smem:$0x3FBD] =	sst s2  }
0x8f: {  	_ = 	snop  }
0x90: {  	(tm) =	ssettm $0x1  }
0x91: {  	s17 =	sld [smem:$0x3FFB];
	_ =	sdelay $0x3  }
0x92: {  	_ =	strace s17  }
0x93: {  	s2 =	sld [smem:$0x3FFC];
	_ =	sdelay $0x3  }
0x94: {  	_ =	strace s2  }
0x95: {  	s2 =	sld [smem:$0x3FFD];
	_ =	sdelay $0x3  }
0x96: {  	_ =	strace s2  }
0x97: {  	_ =	strace $0x8FFFFFFF  }
0x98: {  	s18 =	sld [smem:$0x3FDB];
	_ =	sdelay $0x1  }
0x99: {  	s19 =	simm.s32 $_scs_section_size  }
0x9a: {  	s4 =	simm.s32 $_size__tile_overlayer_lowered;
	s5 =	simm.s32 $_tile_overlayer_lowered  }
0x9b: {  	s22 =	simm.s32 $0x1BFF;
	s21 =	sshll.u32 s5, $0x1;
	s2 =	sadd.s32 s19, s18  }
0x9c: {  	s6 =	simm.s32 $0x0;
	s20 =	sshll.u32 s4, $0x1;
	s4 =	sadd.s32 s21, s2  }
0x9d: {  	[timem:s6], [sflag:s22] =	dma.local [hbm:s4], s20  }
0x9e: {  	_ =	swait.ge [sflag:s22], s20  }
0x9f: {  	s3 =	ssub.s32 $0x0, s20;
	[sflag:s22] =	ssyncset.done $0x0  }
0xa0: {  	[sflag:s22] =	ssyncadd.s32 s3;
	_ =	sdelay $0x1  }
0xa1: {  	s23 =	simm.s32 $0x1B8B  }
0xa2: {  	_ =	swait.ge [sflag:s23], $0x1  }
0xa3: {  	[sflag:s23] =	ssyncset.done $0x0  }
0xa4: {  	s25 =	simm.s32 $0x1B8E;
	s24 =	sld [smem:$0x3FFE];
	[sflag:s23] =	ssyncadd.s32 $0xFFFFFFFF  }
0xa5: {  	s26 =	simm.s32 $execute0_lowered;
	[smem:$0x3FD2] =	sst s25  }
0xa6: {  	s4 =	sshll.u32 s26, $0x1;
	_ =	strace $0x80000049;
	[dreg:$0x1] =	wrdreg $0xFFFFFFFF  }
0xa7: {  	s28 =	simm.s32 $_size_execute0_lowered;
	s2 =	sadd.s32 s2, s4;
	[dreg:$0x0] =	wrdreg $0x0  }
0xa8: {  	s4 =	sshll.u32 s28, $0x1;
	[dreg:$0x2] =	wrdreg s2  }
0xa9: {  	[dreg:$0x3] =	wrdreg s4  }
0xaa: {  	[dreg:$0x4] =	wrdreg $0xC0  }
0xab: {  	_ =	task [dreg:s6], $0x5FFFF  }
0xac: {  	[dreg:$0x1] =	wrdreg $0xFFFFFFFF  }
0xad: {  	[dreg:$0x0] =	wrdreg $0x60  }
0xae: {  	[dreg:$0x2] =	wrdreg s24  }
0xaf: {  	[dreg:$0x3] =	wrdreg $0x9  }
0xb0: {  	_ =	task.clear_ibuf [dreg:s6], $0x4FFFF;
	_ =	strace $0x90000049  }
0xb1: {  	s29 =	simm.s32 $0x9;
	_ =	strace $0x8000004B  }
0xb2: {  	_ =	swait.ge [sflag:s29], $0x1  }
0xb3: {  	[sflag:s29] =	ssyncadd.s32 $0xFFFFFFFF  }
0xb4: {  	_ =	strace $0x9000004B  }
0xb5: {  	_ =	sfence  }
0xb6: {  	s30 =	sld [smem:$0x0];
	_ =	sdelay $0x2  }
0xb7: {  	s31 =	sshll.u32 s1, $0xD;
	s1 =	sshrl.u32 s1, $0x2  }
0xb8: {  	s3 =	sand.u32 $0x4000, s31;
	s1 =	sadd.s32 s1, s30  }
0xb9: {  	s0 =	sor.u32 s3, s0;
	s1 =	sshll.u32 s1, $0x11  }
0xba: {  	s0 =	sor.u32 s1, s0  }
0xbb: {  	s0 =	sadd.s32 $0x8F2B, s0  }
0xbc: {  	[sflag:s0] =	ssyncadd.remote.s32 $0x1  }
0xbd: {  	_ =	sfence.sel $0xFFFF  }
0xbe: {  	[dreg:$0x0] =	wrdreg $0xFFFFFFFF;
	(pc) =	sbr.abs _section_cstart, $3  }
0xbf: {  	[dreg:$0x1] =	wrdreg $0xFFFFFFFF  }
0xc0: {  	_ =	task.clear_ibuf [dreg:s6], $0x2FFFF;
	_ =	strace $0x9FFFFFFF  }
0xc1: {  	(tm) =	ssettm $0x7FFFFFFF  }
tec
execute0_lowered:
.L_overlay_start_1:
0x0: {  	(tag) =	ssettag $0x1  }
0x1: {  	s11 =	rddreg [dreg:$0x0]  }
0x2: {  	s0 =	rddreg [dreg:$0x1]  }
0x3: {  	s2 =	srdreg.scid;
	_ =	strace $0x8000004A;
	s1 =	stileid.u32  }
0x4: {  	s4 =	simm.s32 $0x1;
	s10 =	simm.s32 $0x3;
	s13 =	simm.s32 $0x0  }
0x5: {  	s16 =	simm.s32 $0x0;
	s15 =	simm.s32 $0x0;
	s3 =	sshll.u32 s2, $0x7  }
0x6: {  	s2 =	sadd.s32 $0x800, s11;
	s5 =	sshll.u32 s1, $0x8;
	s6 =	sand.u32 $0x80, s3  }
0x7: {  	[sflag:s4] =	ssyncpa.u1 $0x0;
	s7 =	sadd.s32 $0x4CD000, s11;
	s5 =	sor.u32 s5, s6  }
0x8: {  	s3 =	sadd.s32 $0x4B3C00, s11;
	s6 =	simm.s32 $0x2;
	s8 =	ssub.s32 $0x9C80, s5  }
.Ltmp0:
0x9: {  	[sflag:s6] =	ssyncpa.u1 $0x0;
	s9 =	sand.u32 $0xF80, s8;
	(pc) =	sbr.rel .LBB2_1-.Ltmp0, $4  }
0xa: {  	s14 =	smov.u32 s5;
	p0 =	sne.s32 s9, $0x0;
	s9 =	simm.s32 $0x1  }
0xb: {  	[sflag:s10] =	ssyncpa.u1 $0x0;
	s8 =	sshrl.u32 s8, $0xC;
	s9 =	simm.s32 @!p0 $0x0  }
0xc: {  	s10 =	sadd.s32 $0x4E0900, s11;
	p0 =	por $0x0, $0x0;
	s8 =	sadd.s32 s9, s8  }
0xd: {  	vm0 =	vmmov $0xffff;
	v0 =	vlaneseq.u32;
	s9 =	sadd.s32 $0x4D6C80, s11;
	s11 =	sadd.s32 $0x4EA580, s11;
	s12 =	sadd.s32 $0x1, s8  }
.LBB2_4:
0xe: {  	_ =	sdelay $0x3  }
0xf: {  	[tilespmem:s21], [sflag:$0x1] =	stream.indirect_vreg.gather [hbm4b:s2+s13], $0x1, v1, vm0, $0x4038;
	[tilespmem:$0x2100] =	vst v63  }
0x10: {  	v1 =	vld.msk [tilespmem:s24+$0x0 ss:$0x1], $0xffff;
	_ =	sdelay $0x4  }
0x11: {  	v2 =	vshrl.u32 v1, $0x3  }
0x12: {  	v3 =	vand.u32 $0x7, v1;
	vm1 =	veq.s32 v1, $0x80000000;
	v1 =	vand.u32 $0x3FFFF, v2  }
0x13: {  	p1 =	sgt.s32 s19, $0x0;
	v2 =	vmul.u32 $0x47F000, v3;
	v1 =	vsel vm1, $0xFFFFFFFF, v1  }
0x14: {  	s19 =	simm.s32 @!p1 $0x0;
	v3 =	vshll.u32 v1, $0x3  }
0x15: {  	s19 =	smin.u32 s19, $0x10;
	v2 =	vsel vm1, $0xFFB81000, v2;
	v3 =	vand.u32 $0xFFFFFC00, v3  }
0x16: {  	v1 =	vand.u32 $0x7F, v1;
	v2 =	vadd.s32 v2, v3;
	v3 =	vmov s19  }
0x17: {  	v1 =	vor.u32 v1, v2;
	vm1 =	vgt.u32 v3, v0  }
0x18: {  	v2 =	vnsel vm1, $0x7FFFFFFF, v1;
	_ =	sdelay $0x1  }
0x19: {  	v3 =	vor.u32 $0x80, v1  }
0x1a: {  	(ifvalue) =	ssetifvalue $0x7FFFFFFF;
	s22 =	rddreg [dreg:$0x3];
	v3 =	vnsel vm1, $0x7FFFFFFF, v3  }
0x1b: {  	(ifvalue) =	ssetifvalue $0x7FFFFFFF;
	s19 =	sadd.s32 s23, s22  }
0x1c: {  	v4 =	vor.u32 $0x100, v1;
	[tilespmem:s19], [sflag:$0x1] =	stream.indirect_vreg.gather [hbm4b:s2+s13], $0x1, v2, vm0, $0x4038;
	[tilespmem:$0x2100] =	vst v63  }
0x1d: {  	(ifvalue) =	ssetifvalue $0x7FFFFFFF;
	v2 =	vnsel vm1, $0x7FFFFFFF, v4  }
0x1e: {  	s20 =	sadd.s32 $0x80, s19;
	(ifvalue) =	ssetifvalue $0x7FFFFFFF  }
0x1f: {  	v36 =	vor.u32 $0x180, v1;
	[tilespmem:s20], [sflag:$0x1] =	stream.indirect_vreg.gather [hbm4b:s2+s13], $0x1, v3, vm0, $0x4038;
	[tilespmem:$0x2100] =	vst v63  }
0x20: {  	v3 =	vnsel vm1, $0x7FFFFFFF, v36;
	(ifvalue) =	ssetifvalue $0x7FFFFFFF  }
0x21: {  	s24 =	sadd.s32 $0x100, s19;
	(ifvalue) =	ssetifvalue $0x7FFFFFFF  }
0x22: {  	v37 =	vor.u32 $0x200, v1;
	[tilespmem:s24], [sflag:$0x1] =	stream.indirect_vreg.gather [hbm4b:s2+s13], $0x1, v2, vm0, $0x4038;
	[tilespmem:$0x2100] =	vst v63  }
0x23: {  	(ifvalue) =	ssetifvalue $0x7FFFFFFF;
	v2 =	vnsel vm1, $0x7FFFFFFF, v37  }
0x24: {  	s25 =	sadd.s32 $0x180, s19;
	(ifvalue) =	ssetifvalue $0x7FFFFFFF  }
0x25: {  	v38 =	vor.u32 $0x280, v1;
	[tilespmem:s25], [sflag:$0x1] =	stream.indirect_vreg.gather [hbm4b:s2+s13], $0x1, v3, vm0, $0x4038;
	[tilespmem:$0x2100] =	vst v63  }
0x26: {  	v3 =	vnsel vm1, $0x7FFFFFFF, v38;
	(ifvalue) =	ssetifvalue $0x7FFFFFFF  }
0x27: {  	s26 =	sadd.s32 $0x200, s19;
	(ifvalue) =	ssetifvalue $0x7FFFFFFF  }
0x28: {  	v39 =	vor.u32 $0x300, v1;
	[tilespmem:s26], [sflag:$0x1] =	stream.indirect_vreg.gather [hbm4b:s2+s13], $0x1, v2, vm0, $0x4038;
	[tilespmem:$0x2100] =	vst v63  }
0x29: {  	(ifvalue) =	ssetifvalue $0x7FFFFFFF;
	v2 =	vnsel vm1, $0x7FFFFFFF, v39  }
0x2a: {  	s28 =	sadd.s32 $0x280, s19;
	(ifvalue) =	ssetifvalue $0x7FFFFFFF  }
0x2b: {  	v40 =	vor.u32 $0x380, v1;
	[tilespmem:s28], [sflag:$0x1] =	stream.indirect_vreg.gather [hbm4b:s2+s13], $0x1, v3, vm0, $0x4038;
	[tilespmem:$0x2100] =	vst v63  }
0x2c: {  	v3 =	vnsel vm1, $0x7FFFFFFF, v40;
	(ifvalue) =	ssetifvalue $0x7FFFFFFF  }
0x2d: {  	s29 =	sadd.s32 $0x300, s19;
	(ifvalue) =	ssetifvalue $0x7FFFFFFF  }
0x2e: {  	v41 =	vadd.s32 $0x11FC00, v1;
	[tilespmem:s29], [sflag:$0x1] =	stream.indirect_vreg.gather [hbm4b:s2+s13], $0x1, v2, vm0, $0x4038;
	[tilespmem:$0x2100] =	vst v63  }
0x2f: {  	(ifvalue) =	ssetifvalue $0x7FFFFFFF;
	v2 =	vnsel vm1, $0x7FFFFFFF, v41  }
0x30: {  	s30 =	sadd.s32 $0x380, s19;
	(ifvalue) =	ssetifvalue $0x7FFFFFFF  }
0x31: {  	v42 =	vadd.s32 $0x11FC80, v1;
	[tilespmem:s30], [sflag:$0x1] =	stream.indirect_vreg.gather [hbm4b:s2+s13], $0x1, v3, vm0, $0x4038;
	[tilespmem:$0x2100] =	vst v63  }
0x32: {  	v3 =	vnsel vm1, $0x7FFFFFFF, v42;
	(ifvalue) =	ssetifvalue $0x7FFFFFFF  }
0x33: {  	s31 =	sadd.s32 $0x400, s19;
	(ifvalue) =	ssetifvalue $0x7FFFFFFF  }
0x34: {  	v43 =	vadd.s32 $0x11FD00, v1;
	[tilespmem:s31], [sflag:$0x1] =	stream.indirect_vreg.gather [hbm4b:s2+s13], $0x1, v2, vm0, $0x4038;
	[tilespmem:$0x2100] =	vst v63  }
0x35: {  	(ifvalue) =	ssetifvalue $0x7FFFFFFF;
	v2 =	vnsel vm1, $0x7FFFFFFF, v43  }
0x36: {  	s21 =	sadd.s32 $0x480, s19;
	(ifvalue) =	ssetifvalue $0x7FFFFFFF  }
0x37: {  	v44 =	vadd.s32 $0x11FD80, v1;
	[tilespmem:s21], [sflag:$0x1] =	stream.indirect_vreg.gather [hbm4b:s2+s13], $0x1, v3, vm0, $0x4038;
	[tilespmem:$0x2100] =	vst v63  }
0x38: {  	v3 =	vnsel vm1, $0x7FFFFFFF, v44;
	(ifvalue) =	ssetifvalue $0x7FFFFFFF  }
0x39: {  	s22 =	sadd.s32 $0x500, s19;
	(ifvalue) =	ssetifvalue $0x7FFFFFFF  }
0x3a: {  	v45 =	vadd.s32 $0x11FE00, v1;
	[tilespmem:s22], [sflag:$0x1] =	stream.indirect_vreg.gather [hbm4b:s2+s13], $0x1, v2, vm0, $0x4038;
	[tilespmem:$0x2100] =	vst v63  }
0x3b: {  	(ifvalue) =	ssetifvalue $0x7FFFFFFF;
	v2 =	vnsel vm1, $0x7FFFFFFF, v45  }
0x3c: {  	s23 =	sadd.s32 $0x580, s19;
	(ifvalue) =	ssetifvalue $0x7FFFFFFF  }
0x3d: {  	v46 =	vadd.s32 $0x11FE80, v1;
	[tilespmem:s23], [sflag:$0x1] =	stream.indirect_vreg.gather [hbm4b:s2+s13], $0x1, v3, vm0, $0x4038;
	[tilespmem:$0x2100] =	vst v63  }
0x3e: {  	v3 =	vnsel vm1, $0x7FFFFFFF, v46;
	(ifvalue) =	ssetifvalue $0x7FFFFFFF  }
0x3f: {  	s24 =	sadd.s32 $0x600, s19;
	(ifvalue) =	ssetifvalue $0x7FFFFFFF  }
0x40: {  	v47 =	vadd.s32 $0x11FF00, v1;
	[tilespmem:s24], [sflag:$0x1] =	stream.indirect_vreg.gather [hbm4b:s2+s13], $0x1, v2, vm0, $0x4038;
	[tilespmem:$0x2100] =	vst v63  }
0x41: {  	(ifvalue) =	ssetifvalue $0x7FFFFFFF;
	v2 =	vnsel vm1, $0x7FFFFFFF, v47  }
0x42: {  	s25 =	sadd.s32 $0x680, s19;
	(ifvalue) =	ssetifvalue $0x7FFFFFFF  }
0x43: {  	v48 =	vadd.s32 $0x11FF80, v1;
	[tilespmem:s25], [sflag:$0x1] =	stream.indirect_vreg.gather [hbm4b:s2+s13], $0x1, v3, vm0, $0x4038;
	[tilespmem:$0x2100] =	vst v63  }
0x44: {  	v3 =	vnsel vm1, $0x7FFFFFFF, v48;
	(ifvalue) =	ssetifvalue $0x7FFFFFFF  }
0x45: {  	s26 =	sadd.s32 $0x700, s19;
	(ifvalue) =	ssetifvalue $0x7FFFFFFF  }
0x46: {  	v49 =	vadd.s32 $0x23F800, v1;
	[tilespmem:s26], [sflag:$0x1] =	stream.indirect_vreg.gather [hbm4b:s2+s13], $0x1, v2, vm0, $0x4038;
	[tilespmem:$0x2100] =	vst v63  }
0x47: {  	(ifvalue) =	ssetifvalue $0x7FFFFFFF;
	v2 =	vnsel vm1, $0x7FFFFFFF, v49  }
0x48: {  	s28 =	sadd.s32 $0x780, s19;
	(ifvalue) =	ssetifvalue $0x7FFFFFFF  }
0x49: {  	v50 =	vadd.s32 $0x23F880, v1;
	[tilespmem:s28], [sflag:$0x1] =	stream.indirect_vreg.gather [hbm4b:s2+s13], $0x1, v3, vm0, $0x4038;
	[tilespmem:$0x2100] =	vst v63  }
0x4a: {  	v3 =	vnsel vm1, $0x7FFFFFFF, v50;
	(ifvalue) =	ssetifvalue $0x7FFFFFFF  }
0x4b: {  	s29 =	sadd.s32 $0x800, s19;
	(ifvalue) =	ssetifvalue $0x7FFFFFFF  }
0x4c: {  	v51 =	vadd.s32 $0x23F900, v1;
	[tilespmem:s29], [sflag:$0x1] =	stream.indirect_vreg.gather [hbm4b:s2+s13], $0x1, v2, vm0, $0x4038;
	[tilespmem:$0x2100] =	vst v63  }
0x4d: {  	(ifvalue) =	ssetifvalue $0x7FFFFFFF;
	v2 =	vnsel vm1, $0x7FFFFFFF, v51  }
0x4e: {  	s30 =	sadd.s32 $0x880, s19;
	(ifvalue) =	ssetifvalue $0x7FFFFFFF  }
0x4f: {  	v52 =	vadd.s32 $0x23F980, v1;
	[tilespmem:s30], [sflag:$0x1] =	stream.indirect_vreg.gather [hbm4b:s2+s13], $0x1, v3, vm0, $0x4038;
	[tilespmem:$0x2100] =	vst v63  }
0x50: {  	v3 =	vnsel vm1, $0x7FFFFFFF, v52;
	(ifvalue) =	ssetifvalue $0x7FFFFFFF  }
0x51: {  	s31 =	sadd.s32 $0x900, s19;
	(ifvalue) =	ssetifvalue $0x7FFFFFFF  }
0x52: {  	v53 =	vadd.s32 $0x23FA00, v1;
	[tilespmem:s31], [sflag:$0x1] =	stream.indirect_vreg.gather [hbm4b:s2+s13], $0x1, v2, vm0, $0x4038;
	[tilespmem:$0x2100] =	vst v63  }
0x53: {  	(ifvalue) =	ssetifvalue $0x7FFFFFFF;
	v2 =	vnsel vm1, $0x7FFFFFFF, v53  }
0x54: {  	s21 =	sadd.s32 $0x980, s19;
	(ifvalue) =	ssetifvalue $0x7FFFFFFF  }
0x55: {  	v54 =	vadd.s32 $0x23FA80, v1;
	[tilespmem:s21], [sflag:$0x1] =	stream.indirect_vreg.gather [hbm4b:s2+s13], $0x1, v3, vm0, $0x4038;
	[tilespmem:$0x2100] =	vst v63  }
0x56: {  	v3 =	vnsel vm1, $0x7FFFFFFF, v54;
	(ifvalue) =	ssetifvalue $0x7FFFFFFF  }
0x57: {  	s22 =	sadd.s32 $0xA00, s19;
	(ifvalue) =	ssetifvalue $0x7FFFFFFF  }
0x58: {  	v55 =	vadd.s32 $0x23FB00, v1;
	[tilespmem:s22], [sflag:$0x1] =	stream.indirect_vreg.gather [hbm4b:s2+s13], $0x1, v2, vm0, $0x4038;
	[tilespmem:$0x2100] =	vst v63  }
0x59: {  	(ifvalue) =	ssetifvalue $0x7FFFFFFF;
	v2 =	vnsel vm1, $0x7FFFFFFF, v55  }
0x5a: {  	s23 =	sadd.s32 $0xA80, s19;
	(ifvalue) =	ssetifvalue $0x7FFFFFFF  }
0x5b: {  	v56 =	vadd.s32 $0x23FB80, v1;
	[tilespmem:s23], [sflag:$0x1] =	stream.indirect_vreg.gather [hbm4b:s2+s13], $0x1, v3, vm0, $0x4038;
	[tilespmem:$0x2100] =	vst v63  }
0x5c: {  	v3 =	vnsel vm1, $0x7FFFFFFF, v56;
	(ifvalue) =	ssetifvalue $0x7FFFFFFF  }
0x5d: {  	s24 =	sadd.s32 $0xB00, s19;
	(ifvalue) =	ssetifvalue $0x7FFFFFFF  }
0x5e: {  	v57 =	vadd.s32 $0x35F400, v1;
	[tilespmem:s24], [sflag:$0x1] =	stream.indirect_vreg.gather [hbm4b:s2+s13], $0x1, v2, vm0, $0x4038;
	[tilespmem:$0x2100] =	vst v63  }
0x5f: {  	(ifvalue) =	ssetifvalue $0x7FFFFFFF;
	v2 =	vnsel vm1, $0x7FFFFFFF, v57  }
0x60: {  	s25 =	sadd.s32 $0xB80, s19;
	(ifvalue) =	ssetifvalue $0x7FFFFFFF  }
0x61: {  	v58 =	vadd.s32 $0x35F480, v1;
	[tilespmem:s25], [sflag:$0x1] =	stream.indirect_vreg.gather [hbm4b:s2+s13], $0x1, v3, vm0, $0x4038;
	[tilespmem:$0x2100] =	vst v63  }
0x62: {  	v3 =	vnsel vm1, $0x7FFFFFFF, v58;
	(ifvalue) =	ssetifvalue $0x7FFFFFFF  }
0x63: {  	s26 =	sadd.s32 $0xC00, s19;
	(ifvalue) =	ssetifvalue $0x7FFFFFFF  }
0x64: {  	v59 =	vadd.s32 $0x35F500, v1;
	[tilespmem:s26], [sflag:$0x1] =	stream.indirect_vreg.gather [hbm4b:s2+s13], $0x1, v2, vm0, $0x4038;
	[tilespmem:$0x2100] =	vst v63  }
0x65: {  	(ifvalue) =	ssetifvalue $0x7FFFFFFF;
	v2 =	vnsel vm1, $0x7FFFFFFF, v59  }
0x66: {  	s28 =	sadd.s32 $0xC80, s19;
	(ifvalue) =	ssetifvalue $0x7FFFFFFF  }
0x67: {  	v60 =	vadd.s32 $0x35F580, v1;
	[tilespmem:s28], [sflag:$0x1] =	stream.indirect_vreg.gather [hbm4b:s2+s13], $0x1, v3, vm0, $0x4038;
	[tilespmem:$0x2100] =	vst v63  }
0x68: {  	v3 =	vnsel vm1, $0x7FFFFFFF, v60;
	(ifvalue) =	ssetifvalue $0x7FFFFFFF  }
0x69: {  	s29 =	sadd.s32 $0xD00, s19;
	(ifvalue) =	ssetifvalue $0x7FFFFFFF  }
0x6a: {  	v61 =	vadd.s32 $0x35F600, v1;
	[tilespmem:s29], [sflag:$0x1] =	stream.indirect_vreg.gather [hbm4b:s2+s13], $0x1, v2, vm0, $0x4038;
	[tilespmem:$0x2100] =	vst v63  }
0x6b: {  	(ifvalue) =	ssetifvalue $0x7FFFFFFF;
	v2 =	vnsel vm1, $0x7FFFFFFF, v61  }
0x6c: {  	s30 =	sadd.s32 $0xD80, s19;
	(ifvalue) =	ssetifvalue $0x7FFFFFFF  }
0x6d: {  	v62 =	vadd.s32 $0x35F680, v1;
	[tilespmem:s30], [sflag:$0x1] =	stream.indirect_vreg.gather [hbm4b:s2+s13], $0x1, v3, vm0, $0x4038;
	[tilespmem:$0x2100] =	vst v63  }
0x6e: {  	v3 =	vnsel vm1, $0x7FFFFFFF, v62;
	(ifvalue) =	ssetifvalue $0x7FFFFFFF  }
0x6f: {  	s31 =	sadd.s32 $0xE00, s19;
	(ifvalue) =	ssetifvalue $0x7FFFFFFF  }
0x70: {  	v63 =	vadd.s32 $0x35F700, v1;
	[tilespmem:s31], [sflag:$0x1] =	stream.indirect_vreg.gather [hbm4b:s2+s13], $0x1, v2, vm0, $0x4038;
	[tilespmem:$0x2100] =	vst v63  }
0x71: {  	(ifvalue) =	ssetifvalue $0x7FFFFFFF;
	v2 =	vnsel vm1, $0x7FFFFFFF, v63  }
0x72: {  	s21 =	sadd.s32 $0xE80, s19;
	(ifvalue) =	ssetifvalue $0x7FFFFFFF  }
0x73: {  	v1 =	vadd.s32 $0x35F780, v1;
	[tilespmem:s21], [sflag:$0x1] =	stream.indirect_vreg.gather [hbm4b:s2+s13], $0x1, v3, vm0, $0x4038;
	[tilespmem:$0x2100] =	vst v63  }
0x74: {  	v1 =	vnsel vm1, $0x7FFFFFFF, v1;
	(ifvalue) =	ssetifvalue $0x7FFFFFFF  }
0x75: {  	s22 =	sadd.s32 $0xF00, s19;
	(ifvalue) =	ssetifvalue $0x7FFFFFFF  }
0x76: {  	[tilespmem:s22], [sflag:$0x1] =	stream.indirect_vreg.gather [hbm4b:s2+s13], $0x1, v2, vm0, $0x4038;
	[tilespmem:$0x2100] =	vst v63  }
0x77: {  	(ifvalue) =	ssetifvalue $0x7FFFFFFF  }
0x78: {  	s19 =	sadd.s32 $0xF80, s19;
	s23 =	sshll.u32 s16, $0x3;
	(ifvalue) =	ssetifvalue $0x7FFFFFFF  }
0x79: {  	[tilespmem:s19], [sflag:$0x1] =	stream.indirect_vreg.gather [hbm4b:s2+s13], $0x1, v1, vm0, $0x4038;
	[tilespmem:$0x2100] =	vst v63  }
0x7a: {  	s24 =	sand.u32 $0x78, s16;
	s19 =	sand.u32 $0xFFFFFC00, s23  }
0x7b: {  	_ =	swait.ge [sflag:s4], $0x1000;
	s16 =	sor.u32 s24, s19  }
0x7c: {  	[sflag:s4] =	ssyncset.done $0x0;
	s16 =	sshrl.u32 s16, $0x3  }
0x7d: {  	[sflag:s4] =	ssyncadd.s32 $0xFFFFF000;
	s25 =	sadd.s32 s7, s16  }
0x7e: {  	[hbm:s25] =	stream.linear.scatter [tilespmem:s18], [sflag:$0x3], $0x400, $0x38;
	[tilespmem:$0x2100] =	vst v63  }
0x7f: {  	s26 =	sadd.s32 $0x500, s17;
	s28 =	sadd.s32 s16, s9  }
0x80: {  	[hbm:s28] =	stream.linear.scatter [tilespmem:s26], [sflag:$0x3], $0x400, $0x38;
	[tilespmem:$0x2100] =	vst v63  }
0x81: {  	s29 =	sadd.s32 $0x900, s17;
	s30 =	sadd.s32 s16, s10  }
0x82: {  	[hbm:s30] =	stream.linear.scatter [tilespmem:s29], [sflag:$0x3], $0x400, $0x38;
	[tilespmem:$0x2100] =	vst v63  }
0x83: {  	s31 =	sadd.s32 $0xD00, s17;
	s16 =	sadd.s32 s16, s11  }
0x84: {  	[hbm:s16] =	stream.linear.scatter [tilespmem:s31], [sflag:$0x3], $0x400, $0x38;
	[tilespmem:$0x2100] =	vst v63  }
.LBB2_5:
0x85: {  	s18 =	sadd.s32 $0x1000, s14  }
0x86: {  	p2 =	sgt.s32 s18, $0x9C7F  }
0x87: {  	s18 =	smov.u32 @p2 s5;
	p2 =	sne.s32 s15, s12  }
.Ltmp1:
0x88: {  	p1 =	slt.u32 s15, $0x2;
	(pc) =	sbr.rel @!p2 .LBB2_6-.Ltmp1, $4  }
0x89: {  	s17 =	simm.s32 @!p1 $0x3  }
0x8a: {  	s19 =	sadd.s32 $0x1, s15;
	_ =	swait.ge @!p1 [sflag:s17], $0x1000  }
0x8b: {  	s16 =	smov.u32 s14;
	p0 =	por !p0, !p0;
	[sflag:s17] =	ssyncset.done @!p1 $0x0  }
0x8c: {  	s15 =	smov.u32 s19;
	s14 =	smov.u32 s18;
	[sflag:s17] =	ssyncadd.s32 @!p1 $0xFFFFF000  }
.LBB2_1:
0x8d: {  	p1 =	sge.u32 s15, s8  }
0x8e: {  	s17 =	sxor.u32 @!p1 $0xFFFFFFFF, s15  }
0x8f: {  	s31 =	sadd.s32 $0xFFFFFFFF, s15;
	s18 =	sshrl.u32 @!p1 s14, $0x3;
	s17 =	sshll.u32 @!p1 s17, $0x7  }
0x90: {  	s19 =	sand.u32 @!p1 $0x7, s14;
	s18 =	sadd.s32 @!p1 s3, s18;
	s17 =	sand.u32 @!p1 $0x80, s17  }
0x91: {  	[tilespmem:s17], [sflag:$0x2] =	stream.linear.gather @!p1 [hbm4b:s18+s19], $0x80, $0x38;
	[tilespmem:$0x2100] =	vst v63  }
0x92: {  	p1 =	sge.u32 s31, s8  }
.Ltmp2:
0x93: {  	_ = 	snop;
	(pc) =	sbr.rel @p1 .LBB2_5-.Ltmp2, $1  }
0x94: {  	_ =	sdelay $0x3  }
0x95: {  	s17 =	simm.s32 $0x1  }
0x96: {  	s17 =	simm.s32 @!p0 $0x0  }
0x97: {  	s18 =	sshll.u32 s17, $0xC;
	s17 =	sshll.u32 s17, $0x7  }
0x98: {  	s18 =	sor.u32 $0x100, s18;
	[dreg:$0x2] =	wrdreg s17  }
0x99: {  	[dreg:$0x3] =	wrdreg s18  }
0x9a: {  	_ =	swait.ge [sflag:s6], $0x80  }
0x9b: {  	s22 =	rddreg [dreg:$0x2];
	[sflag:s6] =	ssyncset.done $0x0  }
0x9c: {  	[sflag:s6] =	ssyncadd.s32 $0xFFFFFF80;
	s17 =	sadd.s32 $0x0, s22  }
0x9d: {  	v1 =	vld.msk [tilespmem:s17+$0x0 ss:$0x1], $0xffff;
	_ =	sdelay $0x3  }
0x9e: {  	s19 =	ssub.s32 $0x9C40, s16  }
0x9f: {  	p1 =	slt.s32 s19, $0x80;
	v2 =	vshrl.u32 v1, $0x3  }
0xa0: {  	s19 =	simm.s32 @!p1 $0x80;
	v3 =	vand.u32 $0x7, v1;
	vm1 =	veq.s32 v1, $0x80000000;
	v1 =	vand.u32 $0x3FFFF, v2  }
0xa1: {  	p1 =	sgt.s32 s19, $0x0;
	s17 =	smov.u32 s19;
	v2 =	vmul.u32 $0x47F000, v3;
	v1 =	vsel vm1, $0xFFFFFFFF, v1  }
0xa2: {  	s17 =	simm.s32 @!p1 $0x0;
	v3 =	vshll.u32 v1, $0x3  }
0xa3: {  	s17 =	smin.u32 s17, $0x10;
	v2 =	vsel vm1, $0xFFB81000, v2;
	v3 =	vand.u32 $0xFFFFFC00, v3  }
0xa4: {  	v1 =	vand.u32 $0x7F, v1;
	v2 =	vadd.s32 v2, v3;
	v3 =	vmov s17  }
0xa5: {  	v1 =	vor.u32 v1, v2;
	vm1 =	vgt.u32 v3, v0  }
0xa6: {  	v2 =	vnsel vm1, $0x7FFFFFFF, v1;
	_ =	sdelay $0x1  }
0xa7: {  	v3 =	vor.u32 $0x80, v1  }
0xa8: {  	(ifvalue) =	ssetifvalue $0x7FFFFFFF;
	s23 =	rddreg [dreg:$0x3];
	v3 =	vnsel vm1, $0x7FFFFFFF, v3  }
0xa9: {  	s21 =	sadd.s32 $0x0, s23;
	(ifvalue) =	ssetifvalue $0x7FFFFFFF  }
0xaa: {  	v4 =	vor.u32 $0x100, v1;
	[tilespmem:s21], [sflag:$0x1] =	stream.indirect_vreg.gather [hbm4b:s2+s13], $0x1, v2, vm0, $0x4038;
	[tilespmem:$0x2100] =	vst v63  }
0xab: {  	(ifvalue) =	ssetifvalue $0x7FFFFFFF;
	v2 =	vnsel vm1, $0x7FFFFFFF, v4  }
0xac: {  	s17 =	sadd.s32 $0x80, s21;
	(ifvalue) =	ssetifvalue $0x7FFFFFFF  }
0xad: {  	v37 =	vor.u32 $0x180, v1;
	[tilespmem:s17], [sflag:$0x1] =	stream.indirect_vreg.gather [hbm4b:s2+s13], $0x1, v3, vm0, $0x4038;
	[tilespmem:$0x2100] =	vst v63  }
0xae: {  	v3 =	vnsel vm1, $0x7FFFFFFF, v37;
	(ifvalue) =	ssetifvalue $0x7FFFFFFF  }
0xaf: {  	s24 =	sadd.s32 $0x100, s21;
	(ifvalue) =	ssetifvalue $0x7FFFFFFF  }
0xb0: {  	v38 =	vor.u32 $0x200, v1;
	[tilespmem:s24], [sflag:$0x1] =	stream.indirect_vreg.gather [hbm4b:s2+s13], $0x1, v2, vm0, $0x4038;
	[tilespmem:$0x2100] =	vst v63  }
0xb1: {  	(ifvalue) =	ssetifvalue $0x7FFFFFFF;
	v2 =	vnsel vm1, $0x7FFFFFFF, v38  }
0xb2: {  	s25 =	sadd.s32 $0x180, s21;
	(ifvalue) =	ssetifvalue $0x7FFFFFFF  }
0xb3: {  	v39 =	vor.u32 $0x280, v1;
	[tilespmem:s25], [sflag:$0x1] =	stream.indirect_vreg.gather [hbm4b:s2+s13], $0x1, v3, vm0, $0x4038;
	[tilespmem:$0x2100] =	vst v63  }
0xb4: {  	v3 =	vnsel vm1, $0x7FFFFFFF, v39;
	(ifvalue) =	ssetifvalue $0x7FFFFFFF  }
0xb5: {  	s26 =	sadd.s32 $0x200, s21;
	(ifvalue) =	ssetifvalue $0x7FFFFFFF  }
0xb6: {  	v40 =	vor.u32 $0x300, v1;
	[tilespmem:s26], [sflag:$0x1] =	stream.indirect_vreg.gather [hbm4b:s2+s13], $0x1, v2, vm0, $0x4038;
	[tilespmem:$0x2100] =	vst v63  }
0xb7: {  	(ifvalue) =	ssetifvalue $0x7FFFFFFF;
	v2 =	vnsel vm1, $0x7FFFFFFF, v40  }
0xb8: {  	s28 =	sadd.s32 $0x280, s21;
	(ifvalue) =	ssetifvalue $0x7FFFFFFF  }
0xb9: {  	v41 =	vor.u32 $0x380, v1;
	[tilespmem:s28], [sflag:$0x1] =	stream.indirect_vreg.gather [hbm4b:s2+s13], $0x1, v3, vm0, $0x4038;
	[tilespmem:$0x2100] =	vst v63  }
0xba: {  	v3 =	vnsel vm1, $0x7FFFFFFF, v41;
	(ifvalue) =	ssetifvalue $0x7FFFFFFF  }
0xbb: {  	s29 =	sadd.s32 $0x300, s21;
	(ifvalue) =	ssetifvalue $0x7FFFFFFF  }
0xbc: {  	v42 =	vadd.s32 $0x11FC00, v1;
	[tilespmem:s29], [sflag:$0x1] =	stream.indirect_vreg.gather [hbm4b:s2+s13], $0x1, v2, vm0, $0x4038;
	[tilespmem:$0x2100] =	vst v63  }
0xbd: {  	(ifvalue) =	ssetifvalue $0x7FFFFFFF;
	v2 =	vnsel vm1, $0x7FFFFFFF, v42  }
0xbe: {  	s30 =	sadd.s32 $0x380, s21;
	(ifvalue) =	ssetifvalue $0x7FFFFFFF  }
0xbf: {  	v43 =	vadd.s32 $0x11FC80, v1;
	[tilespmem:s30], [sflag:$0x1] =	stream.indirect_vreg.gather [hbm4b:s2+s13], $0x1, v3, vm0, $0x4038;
	[tilespmem:$0x2100] =	vst v63  }
0xc0: {  	v3 =	vnsel vm1, $0x7FFFFFFF, v43;
	(ifvalue) =	ssetifvalue $0x7FFFFFFF  }
0xc1: {  	s31 =	sadd.s32 $0x400, s21;
	(ifvalue) =	ssetifvalue $0x7FFFFFFF  }
0xc2: {  	v44 =	vadd.s32 $0x11FD00, v1;
	[tilespmem:s31], [sflag:$0x1] =	stream.indirect_vreg.gather [hbm4b:s2+s13], $0x1, v2, vm0, $0x4038;
	[tilespmem:$0x2100] =	vst v63  }
0xc3: {  	(ifvalue) =	ssetifvalue $0x7FFFFFFF;
	v2 =	vnsel vm1, $0x7FFFFFFF, v44  }
0xc4: {  	s18 =	sadd.s32 $0x480, s21;
	(ifvalue) =	ssetifvalue $0x7FFFFFFF  }
0xc5: {  	v45 =	vadd.s32 $0x11FD80, v1;
	[tilespmem:s18], [sflag:$0x1] =	stream.indirect_vreg.gather [hbm4b:s2+s13], $0x1, v3, vm0, $0x4038;
	[tilespmem:$0x2100] =	vst v63  }
0xc6: {  	v3 =	vnsel vm1, $0x7FFFFFFF, v45;
	(ifvalue) =	ssetifvalue $0x7FFFFFFF  }
0xc7: {  	s20 =	sadd.s32 $0x500, s21;
	(ifvalue) =	ssetifvalue $0x7FFFFFFF  }
0xc8: {  	v46 =	vadd.s32 $0x11FE00, v1;
	[tilespmem:s20], [sflag:$0x1] =	stream.indirect_vreg.gather [hbm4b:s2+s13], $0x1, v2, vm0, $0x4038;
	[tilespmem:$0x2100] =	vst v63  }
0xc9: {  	(ifvalue) =	ssetifvalue $0x7FFFFFFF;
	v2 =	vnsel vm1, $0x7FFFFFFF, v46  }
0xca: {  	s22 =	sadd.s32 $0x580, s21;
	(ifvalue) =	ssetifvalue $0x7FFFFFFF  }
0xcb: {  	v47 =	vadd.s32 $0x11FE80, v1;
	[tilespmem:s22], [sflag:$0x1] =	stream.indirect_vreg.gather [hbm4b:s2+s13], $0x1, v3, vm0, $0x4038;
	[tilespmem:$0x2100] =	vst v63  }
0xcc: {  	v3 =	vnsel vm1, $0x7FFFFFFF, v47;
	(ifvalue) =	ssetifvalue $0x7FFFFFFF  }
0xcd: {  	s23 =	sadd.s32 $0x600, s21;
	(ifvalue) =	ssetifvalue $0x7FFFFFFF  }
0xce: {  	v48 =	vadd.s32 $0x11FF00, v1;
	[tilespmem:s23], [sflag:$0x1] =	stream.indirect_vreg.gather [hbm4b:s2+s13], $0x1, v2, vm0, $0x4038;
	[tilespmem:$0x2100] =	vst v63  }
0xcf: {  	(ifvalue) =	ssetifvalue $0x7FFFFFFF;
	v2 =	vnsel vm1, $0x7FFFFFFF, v48  }
0xd0: {  	s24 =	sadd.s32 $0x680, s21;
	(ifvalue) =	ssetifvalue $0x7FFFFFFF  }
0xd1: {  	v49 =	vadd.s32 $0x11FF80, v1;
	[tilespmem:s24], [sflag:$0x1] =	stream.indirect_vreg.gather [hbm4b:s2+s13], $0x1, v3, vm0, $0x4038;
	[tilespmem:$0x2100] =	vst v63  }
0xd2: {  	v3 =	vnsel vm1, $0x7FFFFFFF, v49;
	(ifvalue) =	ssetifvalue $0x7FFFFFFF  }
0xd3: {  	s25 =	sadd.s32 $0x700, s21;
	(ifvalue) =	ssetifvalue $0x7FFFFFFF  }
0xd4: {  	v50 =	vadd.s32 $0x23F800, v1;
	[tilespmem:s25], [sflag:$0x1] =	stream.indirect_vreg.gather [hbm4b:s2+s13], $0x1, v2, vm0, $0x4038;
	[tilespmem:$0x2100] =	vst v63  }
0xd5: {  	(ifvalue) =	ssetifvalue $0x7FFFFFFF;
	v2 =	vnsel vm1, $0x7FFFFFFF, v50  }
0xd6: {  	s26 =	sadd.s32 $0x780, s21;
	(ifvalue) =	ssetifvalue $0x7FFFFFFF  }
0xd7: {  	v51 =	vadd.s32 $0x23F880, v1;
	[tilespmem:s26], [sflag:$0x1] =	stream.indirect_vreg.gather [hbm4b:s2+s13], $0x1, v3, vm0, $0x4038;
	[tilespmem:$0x2100] =	vst v63  }
0xd8: {  	v3 =	vnsel vm1, $0x7FFFFFFF, v51;
	(ifvalue) =	ssetifvalue $0x7FFFFFFF  }
0xd9: {  	s28 =	sadd.s32 $0x800, s21;
	(ifvalue) =	ssetifvalue $0x7FFFFFFF  }
0xda: {  	v52 =	vadd.s32 $0x23F900, v1;
	[tilespmem:s28], [sflag:$0x1] =	stream.indirect_vreg.gather [hbm4b:s2+s13], $0x1, v2, vm0, $0x4038;
	[tilespmem:$0x2100] =	vst v63  }
0xdb: {  	(ifvalue) =	ssetifvalue $0x7FFFFFFF;
	v2 =	vnsel vm1, $0x7FFFFFFF, v52  }
0xdc: {  	s29 =	sadd.s32 $0x880, s21;
	(ifvalue) =	ssetifvalue $0x7FFFFFFF  }
0xdd: {  	v53 =	vadd.s32 $0x23F980, v1;
	[tilespmem:s29], [sflag:$0x1] =	stream.indirect_vreg.gather [hbm4b:s2+s13], $0x1, v3, vm0, $0x4038;
	[tilespmem:$0x2100] =	vst v63  }
0xde: {  	v3 =	vnsel vm1, $0x7FFFFFFF, v53;
	(ifvalue) =	ssetifvalue $0x7FFFFFFF  }
0xdf: {  	s30 =	sadd.s32 $0x900, s21;
	(ifvalue) =	ssetifvalue $0x7FFFFFFF  }
0xe0: {  	v54 =	vadd.s32 $0x23FA00, v1;
	[tilespmem:s30], [sflag:$0x1] =	stream.indirect_vreg.gather [hbm4b:s2+s13], $0x1, v2, vm0, $0x4038;
	[tilespmem:$0x2100] =	vst v63  }
0xe1: {  	(ifvalue) =	ssetifvalue $0x7FFFFFFF;
	v2 =	vnsel vm1, $0x7FFFFFFF, v54  }
0xe2: {  	s31 =	sadd.s32 $0x980, s21;
	(ifvalue) =	ssetifvalue $0x7FFFFFFF  }
0xe3: {  	v55 =	vadd.s32 $0x23FA80, v1;
	[tilespmem:s31], [sflag:$0x1] =	stream.indirect_vreg.gather [hbm4b:s2+s13], $0x1, v3, vm0, $0x4038;
	[tilespmem:$0x2100] =	vst v63  }
0xe4: {  	v3 =	vnsel vm1, $0x7FFFFFFF, v55;
	(ifvalue) =	ssetifvalue $0x7FFFFFFF  }
0xe5: {  	s18 =	sadd.s32 $0xA00, s21;
	(ifvalue) =	ssetifvalue $0x7FFFFFFF  }
0xe6: {  	v56 =	vadd.s32 $0x23FB00, v1;
	[tilespmem:s18], [sflag:$0x1] =	stream.indirect_vreg.gather [hbm4b:s2+s13], $0x1, v2, vm0, $0x4038;
	[tilespmem:$0x2100] =	vst v63  }
0xe7: {  	(ifvalue) =	ssetifvalue $0x7FFFFFFF;
	v2 =	vnsel vm1, $0x7FFFFFFF, v56  }
0xe8: {  	s20 =	sadd.s32 $0xA80, s21;
	(ifvalue) =	ssetifvalue $0x7FFFFFFF  }
0xe9: {  	v57 =	vadd.s32 $0x23FB80, v1;
	[tilespmem:s20], [sflag:$0x1] =	stream.indirect_vreg.gather [hbm4b:s2+s13], $0x1, v3, vm0, $0x4038;
	[tilespmem:$0x2100] =	vst v63  }
0xea: {  	v3 =	vnsel vm1, $0x7FFFFFFF, v57;
	(ifvalue) =	ssetifvalue $0x7FFFFFFF  }
0xeb: {  	s22 =	sadd.s32 $0xB00, s21;
	(ifvalue) =	ssetifvalue $0x7FFFFFFF  }
0xec: {  	v58 =	vadd.s32 $0x35F400, v1;
	[tilespmem:s22], [sflag:$0x1] =	stream.indirect_vreg.gather [hbm4b:s2+s13], $0x1, v2, vm0, $0x4038;
	[tilespmem:$0x2100] =	vst v63  }
0xed: {  	(ifvalue) =	ssetifvalue $0x7FFFFFFF;
	v2 =	vnsel vm1, $0x7FFFFFFF, v58  }
0xee: {  	s23 =	sadd.s32 $0xB80, s21;
	(ifvalue) =	ssetifvalue $0x7FFFFFFF  }
0xef: {  	v59 =	vadd.s32 $0x35F480, v1;
	[tilespmem:s23], [sflag:$0x1] =	stream.indirect_vreg.gather [hbm4b:s2+s13], $0x1, v3, vm0, $0x4038;
	[tilespmem:$0x2100] =	vst v63  }
0xf0: {  	v3 =	vnsel vm1, $0x7FFFFFFF, v59;
	(ifvalue) =	ssetifvalue $0x7FFFFFFF  }
0xf1: {  	s24 =	sadd.s32 $0xC00, s21;
	(ifvalue) =	ssetifvalue $0x7FFFFFFF  }
0xf2: {  	v60 =	vadd.s32 $0x35F500, v1;
	[tilespmem:s24], [sflag:$0x1] =	stream.indirect_vreg.gather [hbm4b:s2+s13], $0x1, v2, vm0, $0x4038;
	[tilespmem:$0x2100] =	vst v63  }
0xf3: {  	(ifvalue) =	ssetifvalue $0x7FFFFFFF;
	v2 =	vnsel vm1, $0x7FFFFFFF, v60  }
0xf4: {  	s25 =	sadd.s32 $0xC80, s21;
	(ifvalue) =	ssetifvalue $0x7FFFFFFF  }
0xf5: {  	v61 =	vadd.s32 $0x35F580, v1;
	[tilespmem:s25], [sflag:$0x1] =	stream.indirect_vreg.gather [hbm4b:s2+s13], $0x1, v3, vm0, $0x4038;
	[tilespmem:$0x2100] =	vst v63  }
0xf6: {  	v3 =	vnsel vm1, $0x7FFFFFFF, v61;
	(ifvalue) =	ssetifvalue $0x7FFFFFFF  }
0xf7: {  	s26 =	sadd.s32 $0xD00, s21;
	(ifvalue) =	ssetifvalue $0x7FFFFFFF  }
0xf8: {  	v62 =	vadd.s32 $0x35F600, v1;
	[tilespmem:s26], [sflag:$0x1] =	stream.indirect_vreg.gather [hbm4b:s2+s13], $0x1, v2, vm0, $0x4038;
	[tilespmem:$0x2100] =	vst v63  }
0xf9: {  	(ifvalue) =	ssetifvalue $0x7FFFFFFF;
	v2 =	vnsel vm1, $0x7FFFFFFF, v62  }
0xfa: {  	s28 =	sadd.s32 $0xD80, s21;
	(ifvalue) =	ssetifvalue $0x7FFFFFFF  }
0xfb: {  	v63 =	vadd.s32 $0x35F680, v1;
	[tilespmem:s28], [sflag:$0x1] =	stream.indirect_vreg.gather [hbm4b:s2+s13], $0x1, v3, vm0, $0x4038;
	[tilespmem:$0x2100] =	vst v63  }
0xfc: {  	v3 =	vnsel vm1, $0x7FFFFFFF, v63;
	(ifvalue) =	ssetifvalue $0x7FFFFFFF  }
0xfd: {  	s29 =	sadd.s32 $0xE00, s21;
	(ifvalue) =	ssetifvalue $0x7FFFFFFF  }
0xfe: {  	[tilespmem:s29], [sflag:$0x1] =	stream.indirect_vreg.gather [hbm4b:s2+s13], $0x1, v2, vm0, $0x4038;
	v2 =	vadd.s32 $0x35F700, v1;
	[tilespmem:$0x2100] =	vst v63  }
0xff: {  	s30 =	sshll.u32 s15, $0xC;
	(ifvalue) =	ssetifvalue $0x7FFFFFFF;
	v2 =	vnsel vm1, $0x7FFFFFFF, v2  }
0x100: {  	s31 =	sadd.s32 $0xE80, s21;
	s17 =	sand.u32 $0x1000, s30;
	(ifvalue) =	ssetifvalue $0x7FFFFFFF  }
0x101: {  	v1 =	vadd.s32 $0x35F780, v1;
	[tilespmem:s31], [sflag:$0x1] =	stream.indirect_vreg.gather [hbm4b:s2+s13], $0x1, v3, vm0, $0x4038;
	[tilespmem:$0x2100] =	vst v63  }
0x102: {  	s19 =	sadd.s32 $0xFFFFFFF0, s19;
	s18 =	sor.u32 $0x100, s17;
	v1 =	vnsel vm1, $0x7FFFFFFF, v1;
	(ifvalue) =	ssetifvalue $0x7FFFFFFF  }
0x103: {  	s23 =	sadd.s32 $0xF00, s21;
	s22 =	rddreg [dreg:$0x2];
	(ifvalue) =	ssetifvalue $0x7FFFFFFF  }
0x104: {  	[tilespmem:s23], [sflag:$0x1] =	stream.indirect_vreg.gather [hbm4b:s2+s13], $0x1, v2, vm0, $0x4038;
	[tilespmem:$0x2100] =	vst v63  }
0x105: {  	s20 =	simm.s32 $0x80;
	s21 =	sadd.s32 $0xF80, s21;
	(ifvalue) =	ssetifvalue $0x7FFFFFFF  }
0x106: {  	s24 =	sadd.s32 $0x10, s22;
	s23 =	simm.s32 $0x10;
	(ifvalue) =	ssetifvalue $0x7FFFFFFF  }
.LBB2_3:
0x107: {  	[tilespmem:s21], [sflag:$0x1] =	stream.indirect_vreg.gather [hbm4b:s2+s13], $0x1, v1, vm0, $0x4038;
	[tilespmem:$0x2100] =	vst v63  }
0x108: {  	v1 =	vld.msk [tilespmem:s24+$0x0 ss:$0x1], $0xffff;
	_ =	sdelay $0x4  }
0x109: {  	v3 =	vshrl.u32 v1, $0x3  }
0x10a: {  	v2 =	vand.u32 $0x7, v1;
	vm1 =	veq.s32 v1, $0x80000000;
	v1 =	vand.u32 $0x3FFFF, v3  }
0x10b: {  	p2 =	sgt.s32 s19, $0x0;
	s24 =	smov.u32 s19;
	v2 =	vmul.u32 $0x47F000, v2;
	v1 =	vsel vm1, $0xFFFFFFFF, v1  }
0x10c: {  	s24 =	simm.s32 @!p2 $0x0;
	v3 =	vshll.u32 v1, $0x3  }
0x10d: {  	s24 =	smin.u32 s24, $0x10;
	v2 =	vsel vm1, $0xFFB81000, v2;
	v3 =	vand.u32 $0xFFFFFC00, v3  }
0x10e: {  	v1 =	vand.u32 $0x7F, v1;
	v2 =	vadd.s32 v2, v3;
	v3 =	vmov s24  }
0x10f: {  	v1 =	vor.u32 v1, v2;
	vm1 =	vgt.u32 v3, v0  }
0x110: {  	v2 =	vnsel vm1, $0x7FFFFFFF, v1;
	_ =	sdelay $0x1  }
0x111: {  	v3 =	vor.u32 $0x80, v1  }
0x112: {  	(ifvalue) =	ssetifvalue $0x7FFFFFFF;
	s22 =	rddreg [dreg:$0x3];
	v3 =	vnsel vm1, $0x7FFFFFFF, v3  }
0x113: {  	s22 =	sadd.s32 s23, s22;
	(ifvalue) =	ssetifvalue $0x7FFFFFFF  }
0x114: {  	v4 =	vor.u32 $0x100, v1;
	[tilespmem:s22], [sflag:$0x1] =	stream.indirect_vreg.gather [hbm4b:s2+s13], $0x1, v2, vm0, $0x4038;
	[tilespmem:$0x2100] =	vst v63  }
0x115: {  	(ifvalue) =	ssetifvalue $0x7FFFFFFF;
	v2 =	vnsel vm1, $0x7FFFFFFF, v4  }
0x116: {  	s23 =	sadd.s32 $0x80, s22;
	(ifvalue) =	ssetifvalue $0x7FFFFFFF  }
0x117: {  	v5 =	vor.u32 $0x180, v1;
	[tilespmem:s23], [sflag:$0x1] =	stream.indirect_vreg.gather [hbm4b:s2+s13], $0x1, v3, vm0, $0x4038;
	[tilespmem:$0x2100] =	vst v63  }
0x118: {  	v29 =	vnsel vm1, $0x7FFFFFFF, v5;
	(ifvalue) =	ssetifvalue $0x7FFFFFFF  }
0x119: {  	s30 =	sadd.s32 $0x100, s22;
	(ifvalue) =	ssetifvalue $0x7FFFFFFF  }
0x11a: {  	v16 =	vor.u32 $0x200, v1;
	[tilespmem:s30], [sflag:$0x1] =	stream.indirect_vreg.gather [hbm4b:s2+s13], $0x1, v2, vm0, $0x4038;
	[tilespmem:$0x2100] =	vst v63  }
0x11b: {  	v16 =	vnsel vm1, $0x7FFFFFFF, v16;
	(ifvalue) =	ssetifvalue $0x7FFFFFFF  }
0x11c: {  	s31 =	sadd.s32 $0x180, s22;
	(ifvalue) =	ssetifvalue $0x7FFFFFFF  }
0x11d: {  	v17 =	vor.u32 $0x280, v1;
	[tilespmem:s31], [sflag:$0x1] =	stream.indirect_vreg.gather [hbm4b:s2+s13], $0x1, v29, vm0, $0x4038;
	[tilespmem:$0x2100] =	vst v63  }
0x11e: {  	v17 =	vnsel vm1, $0x7FFFFFFF, v17;
	(ifvalue) =	ssetifvalue $0x7FFFFFFF  }
0x11f: {  	s24 =	sadd.s32 $0x200, s22;
	(ifvalue) =	ssetifvalue $0x7FFFFFFF  }
0x120: {  	v18 =	vor.u32 $0x300, v1;
	[tilespmem:s24], [sflag:$0x1] =	stream.indirect_vreg.gather [hbm4b:s2+s13], $0x1, v16, vm0, $0x4038;
	[tilespmem:$0x2100] =	vst v63  }
0x121: {  	v53 =	vnsel vm1, $0x7FFFFFFF, v18;
	(ifvalue) =	ssetifvalue $0x7FFFFFFF  }
0x122: {  	s25 =	sadd.s32 $0x280, s22;
	(ifvalue) =	ssetifvalue $0x7FFFFFFF  }
0x123: {  	v19 =	vor.u32 $0x380, v1;
	[tilespmem:s25], [sflag:$0x1] =	stream.indirect_vreg.gather [hbm4b:s2+s13], $0x1, v17, vm0, $0x4038;
	[tilespmem:$0x2100] =	vst v63  }
0x124: {  	v54 =	vnsel vm1, $0x7FFFFFFF, v19;
	(ifvalue) =	ssetifvalue $0x7FFFFFFF  }
0x125: {  	s26 =	sadd.s32 $0x300, s22;
	(ifvalue) =	ssetifvalue $0x7FFFFFFF  }
0x126: {  	v20 =	vadd.s32 $0x11FC00, v1;
	[tilespmem:s26], [sflag:$0x1] =	stream.indirect_vreg.gather [hbm4b:s2+s13], $0x1, v53, vm0, $0x4038;
	[tilespmem:$0x2100] =	vst v63  }
0x127: {  	v55 =	vnsel vm1, $0x7FFFFFFF, v20;
	(ifvalue) =	ssetifvalue $0x7FFFFFFF  }
0x128: {  	s28 =	sadd.s32 $0x380, s22;
	(ifvalue) =	ssetifvalue $0x7FFFFFFF  }
0x129: {  	v21 =	vadd.s32 $0x11FC80, v1;
	[tilespmem:s28], [sflag:$0x1] =	stream.indirect_vreg.gather [hbm4b:s2+s13], $0x1, v54, vm0, $0x4038;
	[tilespmem:$0x2100] =	vst v63  }
0x12a: {  	v56 =	vnsel vm1, $0x7FFFFFFF, v21;
	(ifvalue) =	ssetifvalue $0x7FFFFFFF  }
0x12b: {  	s29 =	sadd.s32 $0x400, s22;
	(ifvalue) =	ssetifvalue $0x7FFFFFFF  }
0x12c: {  	v22 =	vadd.s32 $0x11FD00, v1;
	[tilespmem:s29], [sflag:$0x1] =	stream.indirect_vreg.gather [hbm4b:s2+s13], $0x1, v55, vm0, $0x4038;
	[tilespmem:$0x2100] =	vst v63  }
0x12d: {  	v57 =	vnsel vm1, $0x7FFFFFFF, v22;
	(ifvalue) =	ssetifvalue $0x7FFFFFFF  }
0x12e: {  	s30 =	sadd.s32 $0x480, s22;
	(ifvalue) =	ssetifvalue $0x7FFFFFFF  }
0x12f: {  	v23 =	vadd.s32 $0x11FD80, v1;
	[tilespmem:s30], [sflag:$0x1] =	stream.indirect_vreg.gather [hbm4b:s2+s13], $0x1, v56, vm0, $0x4038;
	[tilespmem:$0x2100] =	vst v63  }
0x130: {  	v58 =	vnsel vm1, $0x7FFFFFFF, v23;
	(ifvalue) =	ssetifvalue $0x7FFFFFFF  }
0x131: {  	s31 =	sadd.s32 $0x500, s22;
	(ifvalue) =	ssetifvalue $0x7FFFFFFF  }
0x132: {  	v24 =	vadd.s32 $0x11FE00, v1;
	[tilespmem:s31], [sflag:$0x1] =	stream.indirect_vreg.gather [hbm4b:s2+s13], $0x1, v57, vm0, $0x4038;
	[tilespmem:$0x2100] =	vst v63  }
0x133: {  	v59 =	vnsel vm1, $0x7FFFFFFF, v24;
	(ifvalue) =	ssetifvalue $0x7FFFFFFF  }
0x134: {  	s24 =	sadd.s32 $0x580, s22;
	(ifvalue) =	ssetifvalue $0x7FFFFFFF  }
0x135: {  	v25 =	vadd.s32 $0x11FE80, v1;
	[tilespmem:s24], [sflag:$0x1] =	stream.indirect_vreg.gather [hbm4b:s2+s13], $0x1, v58, vm0, $0x4038;
	[tilespmem:$0x2100] =	vst v63  }
0x136: {  	v60 =	vnsel vm1, $0x7FFFFFFF, v25;
	(ifvalue) =	ssetifvalue $0x7FFFFFFF  }
0x137: {  	s25 =	sadd.s32 $0x600, s22;
	(ifvalue) =	ssetifvalue $0x7FFFFFFF  }
0x138: {  	v26 =	vadd.s32 $0x11FF00, v1;
	[tilespmem:s25], [sflag:$0x1] =	stream.indirect_vreg.gather [hbm4b:s2+s13], $0x1, v59, vm0, $0x4038;
	[tilespmem:$0x2100] =	vst v63  }
0x139: {  	v61 =	vnsel vm1, $0x7FFFFFFF, v26;
	(ifvalue) =	ssetifvalue $0x7FFFFFFF  }
0x13a: {  	s26 =	sadd.s32 $0x680, s22;
	(ifvalue) =	ssetifvalue $0x7FFFFFFF  }
0x13b: {  	v27 =	vadd.s32 $0x11FF80, v1;
	[tilespmem:s26], [sflag:$0x1] =	stream.indirect_vreg.gather [hbm4b:s2+s13], $0x1, v60, vm0, $0x4038;
	[tilespmem:$0x2100] =	vst v63  }
0x13c: {  	v62 =	vnsel vm1, $0x7FFFFFFF, v27;
	(ifvalue) =	ssetifvalue $0x7FFFFFFF  }
0x13d: {  	s28 =	sadd.s32 $0x700, s22;
	(ifvalue) =	ssetifvalue $0x7FFFFFFF  }
0x13e: {  	v28 =	vadd.s32 $0x23F800, v1;
	[tilespmem:s28], [sflag:$0x1] =	stream.indirect_vreg.gather [hbm4b:s2+s13], $0x1, v61, vm0, $0x4038;
	[tilespmem:$0x2100] =	vst v63  }
0x13f: {  	v63 =	vnsel vm1, $0x7FFFFFFF, v28;
	(ifvalue) =	ssetifvalue $0x7FFFFFFF  }
0x140: {  	s29 =	sadd.s32 $0x780, s22;
	(ifvalue) =	ssetifvalue $0x7FFFFFFF  }
0x141: {  	v15 =	vadd.s32 $0x23F880, v1;
	[tilespmem:s29], [sflag:$0x1] =	stream.indirect_vreg.gather [hbm4b:s2+s13], $0x1, v62, vm0, $0x4038;
	[tilespmem:$0x2100] =	vst v63  }
0x142: {  	v15 =	vnsel vm1, $0x7FFFFFFF, v15;
	(ifvalue) =	ssetifvalue $0x7FFFFFFF  }
0x143: {  	s30 =	sadd.s32 $0x800, s22;
	(ifvalue) =	ssetifvalue $0x7FFFFFFF  }
0x144: {  	v14 =	vadd.s32 $0x23F900, v1;
	[tilespmem:s30], [sflag:$0x1] =	stream.indirect_vreg.gather [hbm4b:s2+s13], $0x1, v63, vm0, $0x4038;
	[tilespmem:$0x2100] =	vst v63  }
0x145: {  	v14 =	vnsel vm1, $0x7FFFFFFF, v14;
	(ifvalue) =	ssetifvalue $0x7FFFFFFF  }
0x146: {  	s31 =	sadd.s32 $0x880, s22;
	(ifvalue) =	ssetifvalue $0x7FFFFFFF  }
0x147: {  	v13 =	vadd.s32 $0x23F980, v1;
	[tilespmem:s31], [sflag:$0x1] =	stream.indirect_vreg.gather [hbm4b:s2+s13], $0x1, v15, vm0, $0x4038;
	[tilespmem:$0x2100] =	vst v63  }
0x148: {  	v13 =	vnsel vm1, $0x7FFFFFFF, v13;
	(ifvalue) =	ssetifvalue $0x7FFFFFFF  }
0x149: {  	s24 =	sadd.s32 $0x900, s22;
	(ifvalue) =	ssetifvalue $0x7FFFFFFF  }
0x14a: {  	v12 =	vadd.s32 $0x23FA00, v1;
	[tilespmem:s24], [sflag:$0x1] =	stream.indirect_vreg.gather [hbm4b:s2+s13], $0x1, v14, vm0, $0x4038;
	[tilespmem:$0x2100] =	vst v63  }
0x14b: {  	v12 =	vnsel vm1, $0x7FFFFFFF, v12;
	(ifvalue) =	ssetifvalue $0x7FFFFFFF  }
0x14c: {  	s25 =	sadd.s32 $0x980, s22;
	(ifvalue) =	ssetifvalue $0x7FFFFFFF  }
0x14d: {  	v11 =	vadd.s32 $0x23FA80, v1;
	[tilespmem:s25], [sflag:$0x1] =	stream.indirect_vreg.gather [hbm4b:s2+s13], $0x1, v13, vm0, $0x4038;
	[tilespmem:$0x2100] =	vst v63  }
0x14e: {  	v11 =	vnsel vm1, $0x7FFFFFFF, v11;
	(ifvalue) =	ssetifvalue $0x7FFFFFFF  }
0x14f: {  	s26 =	sadd.s32 $0xA00, s22;
	(ifvalue) =	ssetifvalue $0x7FFFFFFF  }
0x150: {  	v10 =	vadd.s32 $0x23FB00, v1;
	[tilespmem:s26], [sflag:$0x1] =	stream.indirect_vreg.gather [hbm4b:s2+s13], $0x1, v12, vm0, $0x4038;
	[tilespmem:$0x2100] =	vst v63  }
0x151: {  	v10 =	vnsel vm1, $0x7FFFFFFF, v10;
	(ifvalue) =	ssetifvalue $0x7FFFFFFF  }
0x152: {  	s28 =	sadd.s32 $0xA80, s22;
	(ifvalue) =	ssetifvalue $0x7FFFFFFF  }
0x153: {  	v9 =	vadd.s32 $0x23FB80, v1;
	[tilespmem:s28], [sflag:$0x1] =	stream.indirect_vreg.gather [hbm4b:s2+s13], $0x1, v11, vm0, $0x4038;
	[tilespmem:$0x2100] =	vst v63  }
0x154: {  	v9 =	vnsel vm1, $0x7FFFFFFF, v9;
	(ifvalue) =	ssetifvalue $0x7FFFFFFF  }
0x155: {  	s29 =	sadd.s32 $0xB00, s22;
	(ifvalue) =	ssetifvalue $0x7FFFFFFF  }
0x156: {  	v8 =	vadd.s32 $0x35F400, v1;
	[tilespmem:s29], [sflag:$0x1] =	stream.indirect_vreg.gather [hbm4b:s2+s13], $0x1, v10, vm0, $0x4038;
	[tilespmem:$0x2100] =	vst v63  }
0x157: {  	v8 =	vnsel vm1, $0x7FFFFFFF, v8;
	(ifvalue) =	ssetifvalue $0x7FFFFFFF  }
0x158: {  	s30 =	sadd.s32 $0xB80, s22;
	(ifvalue) =	ssetifvalue $0x7FFFFFFF  }
0x159: {  	v7 =	vadd.s32 $0x35F480, v1;
	[tilespmem:s30], [sflag:$0x1] =	stream.indirect_vreg.gather [hbm4b:s2+s13], $0x1, v9, vm0, $0x4038;
	[tilespmem:$0x2100] =	vst v63  }
0x15a: {  	v7 =	vnsel vm1, $0x7FFFFFFF, v7;
	(ifvalue) =	ssetifvalue $0x7FFFFFFF  }
0x15b: {  	s31 =	sadd.s32 $0xC00, s22;
	(ifvalue) =	ssetifvalue $0x7FFFFFFF  }
0x15c: {  	v6 =	vadd.s32 $0x35F500, v1;
	[tilespmem:s31], [sflag:$0x1] =	stream.indirect_vreg.gather [hbm4b:s2+s13], $0x1, v8, vm0, $0x4038;
	[tilespmem:$0x2100] =	vst v63  }
0x15d: {  	v6 =	vnsel vm1, $0x7FFFFFFF, v6;
	(ifvalue) =	ssetifvalue $0x7FFFFFFF  }
0x15e: {  	s24 =	sadd.s32 $0xC80, s22;
	(ifvalue) =	ssetifvalue $0x7FFFFFFF  }
0x15f: {  	v51 =	vadd.s32 $0x35F580, v1;
	[tilespmem:s24], [sflag:$0x1] =	stream.indirect_vreg.gather [hbm4b:s2+s13], $0x1, v7, vm0, $0x4038;
	[tilespmem:$0x2100] =	vst v63  }
0x160: {  	v5 =	vnsel vm1, $0x7FFFFFFF, v51;
	(ifvalue) =	ssetifvalue $0x7FFFFFFF  }
0x161: {  	s25 =	sadd.s32 $0xD00, s22;
	(ifvalue) =	ssetifvalue $0x7FFFFFFF  }
0x162: {  	v52 =	vadd.s32 $0x35F600, v1;
	[tilespmem:s25], [sflag:$0x1] =	stream.indirect_vreg.gather [hbm4b:s2+s13], $0x1, v6, vm0, $0x4038;
	[tilespmem:$0x2100] =	vst v63  }
0x163: {  	v4 =	vnsel vm1, $0x7FFFFFFF, v52;
	(ifvalue) =	ssetifvalue $0x7FFFFFFF  }
0x164: {  	s26 =	sadd.s32 $0xD80, s22;
	(ifvalue) =	ssetifvalue $0x7FFFFFFF  }
0x165: {  	v3 =	vadd.s32 $0x35F680, v1;
	[tilespmem:s26], [sflag:$0x1] =	stream.indirect_vreg.gather [hbm4b:s2+s13], $0x1, v5, vm0, $0x4038;
	[tilespmem:$0x2100] =	vst v63  }
0x166: {  	v3 =	vnsel vm1, $0x7FFFFFFF, v3;
	(ifvalue) =	ssetifvalue $0x7FFFFFFF  }
0x167: {  	s28 =	sadd.s32 $0xE00, s22;
	(ifvalue) =	ssetifvalue $0x7FFFFFFF  }
0x168: {  	v2 =	vadd.s32 $0x35F700, v1;
	[tilespmem:s28], [sflag:$0x1] =	stream.indirect_vreg.gather [hbm4b:s2+s13], $0x1, v4, vm0, $0x4038;
	[tilespmem:$0x2100] =	vst v63  }
0x169: {  	p1 =	sne.s32 s20, $0x1C0;
	v2 =	vnsel vm1, $0x7FFFFFFF, v2;
	(ifvalue) =	ssetifvalue $0x7FFFFFFF  }
0x16a: {  	s21 =	smov.u32 s20;
	s29 =	sadd.s32 $0xE80, s22;
	(ifvalue) =	ssetifvalue $0x7FFFFFFF  }
0x16b: {  	[tilespmem:s29], [sflag:$0x1] =	stream.indirect_vreg.gather [hbm4b:s2+s13], $0x1, v3, vm0, $0x4038;
	[tilespmem:$0x2100] =	vst v63  }
.Ltmp3:
0x16c: {  	s20 =	sadd.s32 $0x40, s20;
	(ifvalue) =	ssetifvalue $0x7FFFFFFF;
	(pc) =	sbr.rel @p1 .LBB2_3-.Ltmp3, $4  }
0x16d: {  	s31 =	sadd.s32 $0xF00, s22;
	s30 =	rddreg [dreg:$0x2];
	(ifvalue) =	ssetifvalue $0x7FFFFFFF  }
0x16e: {  	[tilespmem:s31], [sflag:$0x1] =	stream.indirect_vreg.gather [hbm4b:s2+s13], $0x1, v2, vm0, $0x4038;
	[tilespmem:$0x2100] =	vst v63  }
0x16f: {  	s19 =	sadd.s32 $0xFFFFFFF0, s19;
	s23 =	sshra.s32 s21, $0x2;
	v1 =	vadd.s32 $0x35F780, v1;
	(ifvalue) =	ssetifvalue $0x7FFFFFFF  }
0x170: {  	s21 =	sadd.s32 $0xF80, s22;
	v1 =	vnsel vm1, $0x7FFFFFFF, v1;
	s24 =	sadd.s32 s23, s30;
	(ifvalue) =	ssetifvalue $0x7FFFFFFF  }
.Ltmp4:
0x171: {  	_ = 	snop;
	(pc) =	sbr.rel .LBB2_4-.Ltmp4, $1  }
0x172: {  	_ =	sdelay $0x3  }
.LBB2_6:
0x173: {  	_ =	sfence.sel $0x180000  }
0x174: {  	s2 =	simm.s32 $0x2;
	[bflag:$0x0] =	sbarrier.arrive $0xFFFF  }
0x175: {  	s30 =	simm.s32 $0x3;
	[sflag:s2] =	ssyncpa.u1 $0x1  }
0x176: {  	s31 =	simm.s32 $0x1;
	[sflag:s30] =	ssyncpa.u1 $0x1  }
0x177: {  	[sflag:s31] =	ssyncpa.u1 $0x1  }
0x178: {  	p0 =	sne.s32 s1, $0x0;
	_ =	strace $0x9000004A  }
0x179: {  	s0 =	sadd.s32 @!p0 $0x100000, s0;
	[bflag:$0x2] =	sbarrier.arrive $0xFFFF  }
0x17a: {  	[sflag:s0] =	ssyncadd.tile.s32 @!p0 $0x1;
	_ =	shalt  }
.Lfunc_end2:
_tile_overlayer_lowered:
.L_overlay_start_2:
0x17b: {  	(tag) =	ssettag $0x2  }
0x17c: {  	s0 =	rddreg [dreg:$0x0];
	s2 =	stileid.u32  }
0x17d: {  	s1 =	rddreg [dreg:$0x1];
	p0 =	sne.s32 s2, $0x0  }
0x17e: {  	s3 =	rddreg [dreg:$0x2];
	[bflag:$0x3] =	sbarrier.arrive $0xFFFF;
	s2 =	simm.s32 @!p0 $0x1C01  }
0x17f: {  	[timem:s3], [sflag:s2] =	dma.local @!p0 [hbm:s0], s1  }
0x180: {  	s0 =	simm.s32 @!p0 $0x1  }
0x181: {  	_ =	swait.ge @!p0 [sflag:s0], s1  }
0x182: {  	s1 =	ssub.s32 @!p0 $0x0, s1;
	[sflag:s0] =	ssyncset.done @!p0 $0x0  }
0x183: {  	[sflag:s0] =	ssyncadd.s32 @!p0 s1  }
0x184: {  	[bflag:$0x3] =	sbarrier.arrive $0xFFFF  }
0x185: {  	_ =	shalt  }

// kernel: kernel.5.cloned.1.call-start
scs
__scs_entry_jumppad:
0x0: {  	(pc) =	sbr.rel $0x88, $3  }
0x1: {  	(tag) =	ssettag $0x0;
	lr =	simm.s32 $0x1  }
0x2: {  	[smem:$0x3F96] =	sst lr;
	_ =	strace $0xD0000000  }
0x3: {  	_ = 	snop  }
0x4: {  	_ = 	snop  }
0x5: {  	_ = 	snop  }
0x6: {  	_ = 	snop  }
0x7: {  	_ = 	snop  }
__scs_overlays_trampoline_lowered:
0x8: {  	[smem:$0x3FA5] =	sst s0  }
0x9: {  	[smem:$0x3FA6] =	sst s1  }
0xa: {  	[smem:$0x3FA7] =	sst s2  }
0xb: {  	[smem:$0x3FA8] =	sst s3  }
0xc: {  	[smem:$0x3FA9] =	sst s4  }
0xd: {  	[smem:$0x3FAA] =	sst s5  }
0xe: {  	[smem:$0x3FAB] =	sst s6  }
0xf: {  	[smem:$0x3FAC] =	sst s7  }
0x10: {  	[smem:$0x3FAD] =	sst s8  }
0x11: {  	[smem:$0x3FAE] =	sst s9;
	s0 =	simm.s32 @!p0 $0x0  }
0x12: {  	s1 =	sld [smem:$0x3F94];
	s0 =	simm.s32 @p0 $0x1  }
0x13: {  	[smem:$0x3FAF] =	sst s0;
	s0 =	simm.s32 @!p1 $0x0  }
0x14: {  	s2 =	sld [smem:$0x3F93];
	s0 =	simm.s32 @p1 $0x1  }
0x15: {  	[smem:$0x3FB0] =	sst s0;
	s0 =	simm.s32 @!p2 $0x0  }
0x16: {  	s3 =	sld [smem:$0x3FDB];
	s0 =	simm.s32 @p2 $0x1  }
0x17: {  	s4 =	simm.s32 $0x1BF5;
	[smem:$0x3FB2] =	sst s0  }
0x18: {  	s0 =	sld [smem:$0x3F95];
	_ =	swait.ge [sflag:s4], $0x0  }
0x19: {  	s7 =	sld [smem:$0x3F96]  }
0x1a: {  	s8 =	sadd.s32 $0xFFFFE003, lr  }
0x1b: {  	s9 =	sadd.s32 $0xFFFFFEF7, lr;
	s5 =	simm.s32 $0xFFFFFFFF;
	p2 =	slt.u32 s8, $0xFFFFF086  }
0x1c: {  	p1 =	slt.u32 s9, $0xF7A;
	s5 =	simm.s32 @!p2 $0x0  }
0x1d: {  	s5 =	simm.s32 @p1 $0x1;
	p0 =	seq.s32 s7, s2  }
0x1e: {  	s7 =	smul.u32 @!p0 $0xF7A, s2;
	p2 =	seq.s32 @!p0 s5, $0x0  }
0x1f: {  	s9 =	smul.u32 $0xF7A, s1;
	s8 =	simm.s32 @!p0 $0x1BF5;
	p2 =	por !p2, p0  }
0x20: {  	[sflag:s8] =	ssyncset.s32 @!p0 $0xFFFFF086;
	s6 =	sadd.s32 @!p0 s3, s7;
	s7 =	simm.s32 @!p0 $0x108  }
0x21: {  	s3 =	sadd.s32 s3, s9;
	s6 =	sadd.s32 @!p0 $0x88, s6;
	s7 =	simm.s32 @p2 $0x1082  }
0x22: {  	[simem:s7], [sflag:s8] =	dma.local @!p0 [hbm:s6], $0xF7A  }
0x23: {  	s9 =	sor.u32 $0xD0000000, s2;
	s6 =	simm.s32 $0x108;
	_ =	swait.ge @!p0 [sflag:s8], $0x0  }
0x24: {  	s3 =	sadd.s32 $0x88, s3;
	s6 =	simm.s32 @!p1 $0x1082;
	[sflag:s4] =	ssyncset.s32 $0xFFFFF086  }
0x25: {  	[simem:s6], [sflag:s4] =	dma.local [hbm:s3], $0xF7A  }
0x26: {  	[smem:$0x3F96] =	sst s1;
	(tag) =	ssettag s2;
	_ =	strace s9  }
0x27: {  	s1 =	sld [smem:$0x3FA6]  }
0x28: {  	s2 =	sld [smem:$0x3FA7]  }
0x29: {  	s4 =	sld [smem:$0x3FA9]  }
0x2a: {  	p0 =	seq.s32 s5, $0x0;
	s5 =	sld [smem:$0x3FAA]  }
0x2b: {  	s6 =	sld [smem:$0x3FAB]  }
0x2c: {  	s7 =	sld [smem:$0x3FAC]  }
0x2d: {  	s3 =	simm.s32 $0x108;
	s8 =	sld [smem:$0x3FAD]  }
0x2e: {  	s3 =	simm.s32 @!p0 $0x1082;
	s9 =	sld [smem:$0x3FAE]  }
0x2f: {  	lr =	sadd.s32 s0, s3;
	s0 =	sld [smem:$0x3FA5]  }
0x30: {  	s3 =	sld [smem:$0x3FA8]  }
0x31: {  	[smem:$0x3FB1] =	sst s10  }
0x32: {  	s10 =	sld [smem:$0x3FAF];
	_ =	sdelay $0x3  }
0x33: {  	p0 =	seq.s32 s10, $0x1;
	s10 =	sld [smem:$0x3FB1];
	_ =	sdelay $0x3  }
0x34: {  	[smem:$0x3FB1] =	sst s10  }
0x35: {  	s10 =	sld [smem:$0x3FB0];
	_ =	sdelay $0x3  }
0x36: {  	p1 =	seq.s32 s10, $0x1;
	s10 =	sld [smem:$0x3FB1];
	_ =	sdelay $0x3  }
0x37: {  	[smem:$0x3FB1] =	sst s10  }
0x38: {  	s10 =	sld [smem:$0x3FB2]  }
0x39: {  	_ = 	snop;
	(pc) =	sbr.ind lr, $3  }
0x3a: {  	_ = 	snop  }
0x3b: {  	_ = 	snop  }
0x3c: {  	p2 =	seq.s32 s10, $0x1;
	s10 =	sld [smem:$0x3FB1]  }
0x3d: {  	_ =	shalt  }
0x3e: {  	_ =	shalt  }
0x3f: {  	_ =	shalt  }
0x40: {  	_ =	shalt  }
0x41: {  	_ =	shalt  }
0x42: {  	_ =	shalt  }
0x43: {  	_ =	shalt  }
0x44: {  	_ =	shalt  }
0x45: {  	_ =	shalt  }
0x46: {  	_ =	shalt  }
0x47: {  	_ =	shalt  }
0x48: {  	_ =	shalt  }
0x49: {  	_ =	shalt  }
0x4a: {  	_ =	shalt  }
0x4b: {  	_ =	shalt  }
0x4c: {  	_ =	shalt  }
0x4d: {  	_ =	shalt  }
0x4e: {  	_ =	shalt  }
0x4f: {  	_ =	shalt  }
0x50: {  	_ =	shalt  }
0x51: {  	_ =	shalt  }
0x52: {  	_ =	shalt  }
0x53: {  	_ =	shalt  }
0x54: {  	_ =	shalt  }
0x55: {  	_ =	shalt  }
0x56: {  	_ =	shalt  }
0x57: {  	_ =	shalt  }
0x58: {  	_ =	shalt  }
0x59: {  	_ =	shalt  }
0x5a: {  	_ =	shalt  }
0x5b: {  	_ =	shalt  }
0x5c: {  	_ =	shalt  }
0x5d: {  	_ =	shalt  }
0x5e: {  	_ =	shalt  }
0x5f: {  	_ =	shalt  }
0x60: {  	_ =	shalt  }
0x61: {  	_ =	shalt  }
0x62: {  	_ =	shalt  }
0x63: {  	_ =	shalt  }
0x64: {  	_ =	shalt  }
0x65: {  	_ =	shalt  }
0x66: {  	_ =	shalt  }
0x67: {  	_ =	shalt  }
0x68: {  	_ =	shalt  }
0x69: {  	_ =	shalt  }
0x6a: {  	_ =	shalt  }
0x6b: {  	_ =	shalt  }
0x6c: {  	_ =	shalt  }
0x6d: {  	_ =	shalt  }
0x6e: {  	_ =	shalt  }
0x6f: {  	_ =	shalt  }
0x70: {  	_ =	shalt  }
0x71: {  	_ =	shalt  }
0x72: {  	_ =	shalt  }
0x73: {  	_ =	shalt  }
0x74: {  	_ =	shalt  }
0x75: {  	_ =	shalt  }
0x76: {  	_ =	shalt  }
0x77: {  	_ =	shalt  }
0x78: {  	_ =	shalt  }
0x79: {  	_ =	shalt  }
0x7a: {  	_ =	shalt  }
0x7b: {  	_ =	shalt  }
0x7c: {  	_ =	shalt  }
0x7d: {  	_ =	shalt  }
0x7e: {  	_ =	shalt  }
0x7f: {  	_ =	shalt  }
0x80: {  	_ =	shalt  }
0x81: {  	_ =	shalt  }
0x82: {  	_ =	shalt  }
0x83: {  	_ =	shalt  }
0x84: {  	_ =	shalt  }
0x85: {  	_ =	shalt  }
0x86: {  	_ =	shalt  }
0x87: {  	_ =	shalt  }
.Lfunc_end0:
.L_simem_size_0:
called_computation.3_lowered:
.L_overlay_start_0:
0x88: {  	s2 =	sld [smem:$0x3FD9]  }
0x89: {  	s3 =	sld [smem:$0x3FFE];
	_ =	sdelay $0x1  }
0x8a: {  	s1 =	srdreg.scid  }
0x8b: {  	s0 =	sand.u32 $0x1, s1  }
0x8c: {  	s16 =	sshll.u32 s0, $0xA;
	s2 =	sadd.s32 s3, s2  }
0x8d: {  	s2 =	sadd.s32 s2, s16  }
0x8e: {  	[smem:$0x3FBD] =	sst s2  }
0x8f: {  	_ = 	snop  }
0x90: {  	(tm) =	ssettm $0x1  }
0x91: {  	s17 =	sld [smem:$0x3FFB];
	_ =	sdelay $0x3  }
0x92: {  	_ =	strace s17  }
0x93: {  	s2 =	sld [smem:$0x3FFC];
	_ =	sdelay $0x3  }
0x94: {  	_ =	strace s2  }
0x95: {  	s2 =	sld [smem:$0x3FFD];
	_ =	sdelay $0x3  }
0x96: {  	_ =	strace s2  }
0x97: {  	_ =	strace $0x8FFFFFFF  }
0x98: {  	s18 =	sld [smem:$0x3FDB];
	_ =	sdelay $0x1  }
0x99: {  	s19 =	simm.s32 $_scs_section_size  }
0x9a: {  	s4 =	simm.s32 $_size__tile_overlayer_lowered;
	s5 =	simm.s32 $_tile_overlayer_lowered  }
0x9b: {  	s22 =	simm.s32 $0x1BFF;
	s21 =	sshll.u32 s5, $0x1;
	s2 =	sadd.s32 s19, s18  }
0x9c: {  	s6 =	simm.s32 $0x0;
	s20 =	sshll.u32 s4, $0x1;
	s4 =	sadd.s32 s21, s2  }
0x9d: {  	[timem:s6], [sflag:s22] =	dma.local [hbm:s4], s20  }
0x9e: {  	_ =	swait.ge [sflag:s22], s20  }
0x9f: {  	s3 =	ssub.s32 $0x0, s20;
	[sflag:s22] =	ssyncset.done $0x0  }
0xa0: {  	[sflag:s22] =	ssyncadd.s32 s3;
	_ =	sdelay $0x1  }
0xa1: {  	s23 =	simm.s32 $0x1B8B  }
0xa2: {  	_ =	swait.ge [sflag:s23], $0x1  }
0xa3: {  	[sflag:s23] =	ssyncset.done $0x0  }
0xa4: {  	s25 =	simm.s32 $0x1B8E;
	s24 =	sld [smem:$0x3FFE];
	[sflag:s23] =	ssyncadd.s32 $0xFFFFFFFF  }
0xa5: {  	s26 =	simm.s32 $execute0_lowered;
	[smem:$0x3FD2] =	sst s25  }
0xa6: {  	s4 =	sshll.u32 s26, $0x1;
	_ =	strace $0x8000004F;
	[dreg:$0x1] =	wrdreg $0xFFFFFFFF  }
0xa7: {  	s28 =	simm.s32 $_size_execute0_lowered;
	s2 =	sadd.s32 s2, s4;
	[dreg:$0x0] =	wrdreg $0x0  }
0xa8: {  	s4 =	sshll.u32 s28, $0x1;
	[dreg:$0x2] =	wrdreg s2  }
0xa9: {  	[dreg:$0x3] =	wrdreg s4  }
0xaa: {  	[dreg:$0x4] =	wrdreg $0xC0  }
0xab: {  	_ =	task [dreg:s6], $0x5FFFF  }
0xac: {  	[dreg:$0x1] =	wrdreg $0xFFFFFFFF  }
0xad: {  	[dreg:$0x0] =	wrdreg $0x60  }
0xae: {  	[dreg:$0x2] =	wrdreg s24  }
0xaf: {  	[dreg:$0x3] =	wrdreg $0x9  }
0xb0: {  	_ =	task.clear_ibuf [dreg:s6], $0x4FFFF;
	_ =	strace $0x9000004F  }
0xb1: {  	s29 =	simm.s32 $0x9;
	_ =	strace $0x80000051  }
0xb2: {  	_ =	swait.ge [sflag:s29], $0x1  }
0xb3: {  	[sflag:s29] =	ssyncadd.s32 $0xFFFFFFFF  }
0xb4: {  	_ =	strace $0x90000051  }
0xb5: {  	_ =	sfence  }
0xb6: {  	s30 =	sld [smem:$0x0];
	_ =	sdelay $0x2  }
0xb7: {  	s31 =	sshll.u32 s1, $0xD;
	s1 =	sshrl.u32 s1, $0x2  }
0xb8: {  	s3 =	sand.u32 $0x4000, s31;
	s1 =	sadd.s32 s1, s30  }
0xb9: {  	s0 =	sor.u32 s3, s0;
	s1 =	sshll.u32 s1, $0x11  }
0xba: {  	s0 =	sor.u32 s1, s0  }
0xbb: {  	s0 =	sadd.s32 $0x8F2B, s0  }
0xbc: {  	[sflag:s0] =	ssyncadd.remote.s32 $0x1  }
0xbd: {  	_ =	sfence.sel $0xFFFF  }
0xbe: {  	[dreg:$0x0] =	wrdreg $0xFFFFFFFF;
	(pc) =	sbr.abs _section_cstart, $3  }
0xbf: {  	[dreg:$0x1] =	wrdreg $0xFFFFFFFF  }
0xc0: {  	_ =	task.clear_ibuf [dreg:s6], $0x2FFFF;
	_ =	strace $0x9FFFFFFF  }
0xc1: {  	(tm) =	ssettm $0x7FFFFFFF  }
tec
execute0_lowered:
.L_overlay_start_1:
0x0: {  	(tag) =	ssettag $0x1  }
0x1: {  	s0 =	rddreg [dreg:$0x0];
	s1 =	simm.s32 $0x0  }
0x2: {  	s3 =	srdreg.scid;
	s8 =	stileid.u32;
	s22 =	simm.s32 $0x3  }
0x3: {  	s24 =	simm.s32 $0x80;
	s25 =	simm.s32 $0x1;
	s26 =	simm.s32 $0x2  }
0x4: {  	s28 =	simm.s32 $0x3300;
	s29 =	simm.s32 $0x0;
	s2 =	sadd.s32 $0x495C00, s0  }
0x5: {  	[smem:$0x7FF] =	sst s1;
	s4 =	sadd.s32 $0x488C00, s0;
	s5 =	sadd.s32 $0x4B5000, s0  }
0x6: {  	s6 =	sadd.s32 $0x4A1C00, s0;
	s7 =	sadd.s32 $0x4B1C00, s0;
	s3 =	sand.u32 $0x1, s3  }
0x7: {  	s10 =	sshll.u32 s8, $0x1;
	s8 =	sadd.s32 $0x4B3400, s0;
	s9 =	sadd.s32 $0x800, s0  }
0x8: {  	_ =	strace $0x80000050;
	s10 =	sor.u32 s3, s10;
	s3 =	ssub.s32 $0x2, s3  }
0x9: {  	s11 =	sshll.u32 s10, $0x8;
	s12 =	smul.u32 $0xA0, s10;
	s31 =	sshrl.u32 s3, $0x1  }
0xa: {  	s10 =	sadd.s32 $0x2000, s0;
	s13 =	sadd.s32 s11, s0;
	s3 =	ssub.s32 s3, s31  }
0xb: {  	s0 =	sadd.s32 s12, s0;
	s11 =	sadd.s32 $0x4ADC00, s13;
	s12 =	sadd.s32 $0x4AFC00, s13  }
0xc: {  	s21 =	smax.u32 s3, $0x1;
	s13 =	sadd.s32 $0x3800, s0;
	s14 =	sadd.s32 $0x4C00, s0  }
0xd: {  	s15 =	sadd.s32 $0x6000, s0;
	s16 =	sadd.s32 $0x7400, s0;
	s17 =	sadd.s32 $0x8800, s0  }
0xe: {  	s18 =	sadd.s32 $0x9C00, s0;
	s19 =	sadd.s32 $0xB000, s0;
	s20 =	sadd.s32 $0xC400, s0  }
.LBB2_1:
0xf: {  	[tilespmem:s1], [sflag:$0x3] =	stream.linear.gather [hbm4b:s11+s1], $0x500, $0x38;
	[tilespmem:$0x3800] =	vst v63  }
0x10: {  	_ =	swait.ge [sflag:s22], $0x500  }
0x11: {  	[sflag:s22] =	ssyncset.done $0x0  }
0x12: {  	s0 =	simm.s32 $0x800;
	[sflag:s22] =	ssyncadd.s32 $0xFFFFFB00  }
0x13: {  	[tilespmem:s0], [sflag:$0x3] =	stream.linear.gather [hbm4b:s12+s1], $0x500, $0x38;
	[tilespmem:$0x3800] =	vst v63  }
0x14: {  	_ =	swait.ge [sflag:s22], $0x500  }
0x15: {  	[sflag:s22] =	ssyncset.done $0x0  }
0x16: {  	s3 =	simm.s32 $0x1000;
	s0 =	simm.s32 $0x0;
	[sflag:s22] =	ssyncadd.s32 $0xFFFFFB00  }
0x17: {  	[tilespmem:s3], [sflag:$0x1] =	stream.indirect.gather [hbm4b:s2+s24], $0x1, s0, s24, $0xb8;
	[tilespmem:$0x3800] =	vst v63  }
0x18: {  	s31 =	simm.s32 $0x2400;
	s30 =	simm.s32 $0x800  }
0x19: {  	[tilespmem:s31], [sflag:$0x2] =	stream.indirect.gather [hbm4b:s7+s24], $0x1, s30, s24, $0xb8;
	[tilespmem:$0x3800] =	vst v63  }
0x1a: {  	s23 =	simm.s32 $0x1500  }
0x1b: {  	[tilespmem:s23], [sflag:$0x1] =	stream.indirect.gather [hbm4b:s4+s24], $0x1, s0, s24, $0xb8;
	[tilespmem:$0x3800] =	vst v63  }
0x1c: {  	s31 =	simm.s32 $0x2900  }
0x1d: {  	[tilespmem:s31], [sflag:$0x2] =	stream.indirect.gather [hbm4b:s8+s24], $0x1, s30, s24, $0xb8;
	[tilespmem:$0x3800] =	vst v63  }
0x1e: {  	s23 =	simm.s32 $0x1A00  }
0x1f: {  	[tilespmem:s23], [sflag:$0x1] =	stream.indirect.gather [hbm4b:s5+s24], $0x1, s0, s24, $0xb8;
	[tilespmem:$0x3800] =	vst v63  }
0x20: {  	s31 =	simm.s32 $0x2E00  }
0x21: {  	[tilespmem:s31], [sflag:$0x2] =	stream.indirect.gather [hbm4b:s9+s24], $0x1, s30, s24, $0xb8;
	[tilespmem:$0x3800] =	vst v63  }
0x22: {  	s23 =	simm.s32 $0x1F00  }
0x23: {  	[tilespmem:s23], [sflag:$0x1] =	stream.indirect.gather [hbm4b:s6+s24], $0x1, s0, s24, $0xb8;
	[tilespmem:$0x3800] =	vst v63  }
0x24: {  	s31 =	simm.s32 $0x3300  }
0x25: {  	[tilespmem:s31], [sflag:$0x2] =	stream.indirect.gather [hbm4b:s10+s24], $0x1, s30, s24, $0xb8;
	[tilespmem:$0x3800] =	vst v63  }
0x26: {  	_ =	swait.ge [sflag:s25], $0x80  }
0x27: {  	[sflag:s25] =	ssyncset.done $0x0  }
0x28: {  	[sflag:s25] =	ssyncadd.s32 $0xFFFFFF80  }
0x29: {  	_ =	swait.ge [sflag:s26], $0x80  }
0x2a: {  	[sflag:s26] =	ssyncset.done $0x0  }
0x2b: {  	[sflag:s26] =	ssyncadd.s32 $0xFFFFFF80  }
0x2c: {  	_ =	swait.ge [sflag:s25], $0x80  }
0x2d: {  	[sflag:s25] =	ssyncset.done $0x0  }
0x2e: {  	[sflag:s25] =	ssyncadd.s32 $0xFFFFFF80  }
0x2f: {  	_ =	swait.ge [sflag:s26], $0x80  }
0x30: {  	[sflag:s26] =	ssyncset.done $0x0  }
0x31: {  	[sflag:s26] =	ssyncadd.s32 $0xFFFFFF80  }
0x32: {  	_ =	swait.ge [sflag:s25], $0x80  }
0x33: {  	[sflag:s25] =	ssyncset.done $0x0  }
0x34: {  	[sflag:s25] =	ssyncadd.s32 $0xFFFFFF80  }
0x35: {  	_ =	swait.ge [sflag:s26], $0x80  }
0x36: {  	[sflag:s26] =	ssyncset.done $0x0  }
0x37: {  	[sflag:s26] =	ssyncadd.s32 $0xFFFFFF80  }
0x38: {  	_ =	swait.ge [sflag:s25], $0x80  }
0x39: {  	[sflag:s25] =	ssyncset.done $0x0  }
0x3a: {  	[sflag:s25] =	ssyncadd.s32 $0xFFFFFF80  }
0x3b: {  	_ =	swait.ge [sflag:s26], $0x80  }
0x3c: {  	s0 =	simm.s32 $0x80;
	s30 =	simm.s32 $0x400;
	[sflag:s26] =	ssyncset.done $0x0  }
.LBB2_2:
0x3d: {  	s23 =	sadd.s32 $0x1000, s0  }
0x3e: {  	[sflag:s26] =	ssyncadd.s32 $0xFFFFFF80;
	s31 =	smov.u32 s30;
	s3 =	sadd.s32 $0x200, s30  }
0x3f: {  	[tilespmem:s23], [sflag:$0x1] =	stream.indirect.gather [hbm4b:s2+s24], $0x1, s0, s24, $0xb8;
	[tilespmem:$0x3800] =	vst v63  }
0x40: {  	p0 =	sne.s32 s30, $0x1200;
	s30 =	sadd.s32 $0x800, s0;
	s23 =	sadd.s32 $0x2400, s0  }
0x41: {  	[tilespmem:s23], [sflag:$0x2] =	stream.indirect.gather [hbm4b:s7+s24], $0x1, s30, s24, $0xb8;
	[tilespmem:$0x3800] =	vst v63  }
0x42: {  	s23 =	sadd.s32 $0x1500, s0  }
0x43: {  	[tilespmem:s23], [sflag:$0x1] =	stream.indirect.gather [hbm4b:s4+s24], $0x1, s0, s24, $0xb8;
	[tilespmem:$0x3800] =	vst v63  }
0x44: {  	s23 =	sadd.s32 $0x2900, s0  }
0x45: {  	[tilespmem:s23], [sflag:$0x2] =	stream.indirect.gather [hbm4b:s8+s24], $0x1, s30, s24, $0xb8;
	[tilespmem:$0x3800] =	vst v63  }
0x46: {  	s23 =	sadd.s32 $0x1A00, s0  }
0x47: {  	[tilespmem:s23], [sflag:$0x1] =	stream.indirect.gather [hbm4b:s5+s24], $0x1, s0, s24, $0xb8;
	[tilespmem:$0x3800] =	vst v63  }
0x48: {  	s23 =	sadd.s32 $0x2E00, s0  }
0x49: {  	[tilespmem:s23], [sflag:$0x2] =	stream.indirect.gather [hbm4b:s9+s24], $0x1, s30, s24, $0xb8;
	[tilespmem:$0x3800] =	vst v63  }
0x4a: {  	s23 =	sadd.s32 $0x1F00, s0  }
0x4b: {  	[tilespmem:s23], [sflag:$0x1] =	stream.indirect.gather [hbm4b:s6+s24], $0x1, s0, s24, $0xb8;
	[tilespmem:$0x3800] =	vst v63  }
0x4c: {  	s0 =	sadd.s32 $0x3300, s0  }
0x4d: {  	[tilespmem:s0], [sflag:$0x2] =	stream.indirect.gather [hbm4b:s10+s24], $0x1, s30, s24, $0xb8;
	[tilespmem:$0x3800] =	vst v63  }
0x4e: {  	_ =	swait.ge [sflag:s25], $0x80  }
0x4f: {  	[sflag:s25] =	ssyncset.done $0x0  }
0x50: {  	[sflag:s25] =	ssyncadd.s32 $0xFFFFFF80  }
0x51: {  	_ =	swait.ge [sflag:s26], $0x80  }
0x52: {  	[sflag:s26] =	ssyncset.done $0x0  }
0x53: {  	[sflag:s26] =	ssyncadd.s32 $0xFFFFFF80  }
0x54: {  	_ =	swait.ge [sflag:s25], $0x80  }
0x55: {  	[sflag:s25] =	ssyncset.done $0x0  }
0x56: {  	[sflag:s25] =	ssyncadd.s32 $0xFFFFFF80  }
0x57: {  	_ =	swait.ge [sflag:s26], $0x80  }
0x58: {  	[sflag:s26] =	ssyncset.done $0x0  }
0x59: {  	[sflag:s26] =	ssyncadd.s32 $0xFFFFFF80  }
0x5a: {  	_ =	swait.ge [sflag:s25], $0x80  }
0x5b: {  	[sflag:s25] =	ssyncset.done $0x0  }
0x5c: {  	[sflag:s25] =	ssyncadd.s32 $0xFFFFFF80  }
0x5d: {  	_ =	swait.ge [sflag:s26], $0x80  }
0x5e: {  	[sflag:s26] =	ssyncset.done $0x0  }
0x5f: {  	[sflag:s26] =	ssyncadd.s32 $0xFFFFFF80  }
.Ltmp0:
0x60: {  	_ =	swait.ge [sflag:s25], $0x80;
	(pc) =	sbr.rel @p0 .LBB2_2-.Ltmp0, $4  }
0x61: {  	[sflag:s25] =	ssyncset.done $0x0  }
0x62: {  	[sflag:s25] =	ssyncadd.s32 $0xFFFFFF80  }
0x63: {  	_ =	swait.ge [sflag:s26], $0x80  }
0x64: {  	s0 =	sshra.s32 s31, $0x2;
	s30 =	smov.u32 s3;
	[sflag:s26] =	ssyncset.done $0x0  }
0x65: {  	s3 =	sadd.s32 $0x1000, s0;
	[sflag:s26] =	ssyncadd.s32 $0xFFFFFF80  }
0x66: {  	[tilespmem:s3], [sflag:$0x1] =	stream.indirect.gather [hbm4b:s2+s24], $0x1, s0, s24, $0xb8;
	[tilespmem:$0x3800] =	vst v63  }
0x67: {  	s30 =	sadd.s32 $0x2400, s0;
	s23 =	sadd.s32 $0x800, s0  }
0x68: {  	[tilespmem:s30], [sflag:$0x2] =	stream.indirect.gather [hbm4b:s7+s24], $0x1, s23, s24, $0xb8;
	[tilespmem:$0x3800] =	vst v63  }
0x69: {  	s31 =	sadd.s32 $0x1500, s0  }
0x6a: {  	[tilespmem:s31], [sflag:$0x1] =	stream.indirect.gather [hbm4b:s4+s24], $0x1, s0, s24, $0xb8;
	[tilespmem:$0x3800] =	vst v63  }
0x6b: {  	s30 =	sadd.s32 $0x2900, s0  }
0x6c: {  	[tilespmem:s30], [sflag:$0x2] =	stream.indirect.gather [hbm4b:s8+s24], $0x1, s23, s24, $0xb8;
	[tilespmem:$0x3800] =	vst v63  }
0x6d: {  	s31 =	sadd.s32 $0x1A00, s0  }
0x6e: {  	[tilespmem:s31], [sflag:$0x1] =	stream.indirect.gather [hbm4b:s5+s24], $0x1, s0, s24, $0xb8;
	[tilespmem:$0x3800] =	vst v63  }
0x6f: {  	s30 =	sadd.s32 $0x2E00, s0  }
0x70: {  	[tilespmem:s30], [sflag:$0x2] =	stream.indirect.gather [hbm4b:s9+s24], $0x1, s23, s24, $0xb8;
	[tilespmem:$0x3800] =	vst v63  }
0x71: {  	s31 =	sadd.s32 $0x1F00, s0  }
0x72: {  	[tilespmem:s31], [sflag:$0x1] =	stream.indirect.gather [hbm4b:s6+s24], $0x1, s0, s24, $0xb8;
	[tilespmem:$0x3800] =	vst v63  }
0x73: {  	s3 =	sadd.s32 $0x3300, s0  }
0x74: {  	[tilespmem:s3], [sflag:$0x2] =	stream.indirect.gather [hbm4b:s10+s24], $0x1, s23, s24, $0xb8;
	[tilespmem:$0x3800] =	vst v63  }
0x75: {  	_ =	swait.ge [sflag:s25], $0x80  }
0x76: {  	[sflag:s25] =	ssyncset.done $0x0  }
0x77: {  	[sflag:s25] =	ssyncadd.s32 $0xFFFFFF80  }
0x78: {  	_ =	swait.ge [sflag:s26], $0x80  }
0x79: {  	[sflag:s26] =	ssyncset.done $0x0  }
0x7a: {  	[sflag:s26] =	ssyncadd.s32 $0xFFFFFF80  }
0x7b: {  	_ =	swait.ge [sflag:s25], $0x80  }
0x7c: {  	[sflag:s25] =	ssyncset.done $0x0  }
0x7d: {  	[sflag:s25] =	ssyncadd.s32 $0xFFFFFF80  }
0x7e: {  	_ =	swait.ge [sflag:s26], $0x80  }
0x7f: {  	[sflag:s26] =	ssyncset.done $0x0  }
0x80: {  	[sflag:s26] =	ssyncadd.s32 $0xFFFFFF80  }
0x81: {  	_ =	swait.ge [sflag:s25], $0x80  }
0x82: {  	[sflag:s25] =	ssyncset.done $0x0  }
0x83: {  	[sflag:s25] =	ssyncadd.s32 $0xFFFFFF80  }
0x84: {  	_ =	swait.ge [sflag:s26], $0x80  }
0x85: {  	[sflag:s26] =	ssyncset.done $0x0  }
0x86: {  	[sflag:s26] =	ssyncadd.s32 $0xFFFFFF80  }
0x87: {  	_ =	swait.ge [sflag:s25], $0x80  }
0x88: {  	[sflag:s25] =	ssyncset.done $0x0  }
0x89: {  	[sflag:s25] =	ssyncadd.s32 $0xFFFFFF80  }
0x8a: {  	_ =	swait.ge [sflag:s26], $0x80  }
0x8b: {  	[sflag:s26] =	ssyncset.done $0x0  }
0x8c: {  	s23 =	simm.s32 $0x1000;
	[sflag:s26] =	ssyncadd.s32 $0xFFFFFF80  }
0x8d: {  	[hbm4b:s13+s1] =	stream.linear.scatter [tilespmem:s23], [sflag:$0x3], $0x500, $0x38;
	[tilespmem:$0x3800] =	vst v63  }
0x8e: {  	_ =	swait.ge [sflag:s22], $0x500  }
0x8f: {  	[sflag:s22] =	ssyncset.done $0x0  }
0x90: {  	s30 =	simm.s32 $0x1500;
	[sflag:s22] =	ssyncadd.s32 $0xFFFFFB00  }
0x91: {  	[hbm4b:s14+s1] =	stream.linear.scatter [tilespmem:s30], [sflag:$0x3], $0x500, $0x38;
	[tilespmem:$0x3800] =	vst v63  }
0x92: {  	_ =	swait.ge [sflag:s22], $0x500  }
0x93: {  	[sflag:s22] =	ssyncset.done $0x0  }
0x94: {  	s31 =	simm.s32 $0x1A00;
	[sflag:s22] =	ssyncadd.s32 $0xFFFFFB00  }
0x95: {  	[hbm4b:s15+s1] =	stream.linear.scatter [tilespmem:s31], [sflag:$0x3], $0x500, $0x38;
	[tilespmem:$0x3800] =	vst v63  }
0x96: {  	_ =	swait.ge [sflag:s22], $0x500  }
0x97: {  	[sflag:s22] =	ssyncset.done $0x0  }
0x98: {  	s3 =	simm.s32 $0x1F00;
	[sflag:s22] =	ssyncadd.s32 $0xFFFFFB00  }
0x99: {  	[hbm4b:s16+s1] =	stream.linear.scatter [tilespmem:s3], [sflag:$0x3], $0x500, $0x38;
	[tilespmem:$0x3800] =	vst v63  }
0x9a: {  	_ =	swait.ge [sflag:s22], $0x500  }
0x9b: {  	[sflag:s22] =	ssyncset.done $0x0  }
0x9c: {  	s23 =	simm.s32 $0x2400;
	[sflag:s22] =	ssyncadd.s32 $0xFFFFFB00  }
0x9d: {  	[hbm4b:s17+s1] =	stream.linear.scatter [tilespmem:s23], [sflag:$0x3], $0x500, $0x38;
	[tilespmem:$0x3800] =	vst v63  }
0x9e: {  	_ =	swait.ge [sflag:s22], $0x500  }
0x9f: {  	[sflag:s22] =	ssyncset.done $0x0  }
0xa0: {  	s30 =	simm.s32 $0x2900;
	[sflag:s22] =	ssyncadd.s32 $0xFFFFFB00  }
0xa1: {  	[hbm4b:s18+s1] =	stream.linear.scatter [tilespmem:s30], [sflag:$0x3], $0x500, $0x38;
	[tilespmem:$0x3800] =	vst v63  }
0xa2: {  	_ =	swait.ge [sflag:s22], $0x500  }
0xa3: {  	[sflag:s22] =	ssyncset.done $0x0  }
0xa4: {  	s31 =	simm.s32 $0x2E00;
	[sflag:s22] =	ssyncadd.s32 $0xFFFFFB00  }
0xa5: {  	[hbm4b:s19+s1] =	stream.linear.scatter [tilespmem:s31], [sflag:$0x3], $0x500, $0x38;
	[tilespmem:$0x3800] =	vst v63  }
0xa6: {  	s29 =	sadd.s32 $0x1, s29;
	_ =	swait.ge [sflag:s22], $0x500  }
0xa7: {  	p0 =	sne.s32 s29, s21;
	[sflag:s22] =	ssyncset.done $0x0  }
.Ltmp1:
0xa8: {  	[sflag:s22] =	ssyncadd.s32 $0xFFFFFB00;
	(pc) =	sbr.rel @p0 .LBB2_1-.Ltmp1, $4  }
0xa9: {  	[hbm4b:s20+s1] =	stream.linear.scatter [tilespmem:s28], [sflag:$0x3], $0x500, $0x38;
	[tilespmem:$0x3800] =	vst v63  }
0xaa: {  	_ =	swait.ge [sflag:s22], $0x500  }
0xab: {  	[sflag:s22] =	ssyncset.done $0x0  }
0xac: {  	[sflag:s22] =	ssyncadd.s32 $0xFFFFFB00  }
0xad: {  	_ =	sfence.sel $0x180000  }
0xae: {  	[bflag:$0x0] =	sbarrier.arrive $0xFFFF  }
0xaf: {  	_ =	strace $0x90000050  }
0xb0: {  	s0 =	stileid.u32;
	[bflag:$0x2] =	sbarrier.arrive $0xFFFF  }
0xb1: {  	p0 =	sne.s32 s0, $0x0;
	s0 =	rddreg [dreg:$0x1]  }
0xb2: {  	s0 =	sadd.s32 @!p0 $0x100000, s0  }
0xb3: {  	[sflag:s0] =	ssyncadd.tile.s32 @!p0 $0x1;
	_ =	shalt  }
.Lfunc_end2:
_tile_overlayer_lowered:
.L_overlay_start_2:
0xb4: {  	(tag) =	ssettag $0x2  }
0xb5: {  	s0 =	rddreg [dreg:$0x0];
	s2 =	stileid.u32  }
0xb6: {  	s1 =	rddreg [dreg:$0x1];
	p0 =	sne.s32 s2, $0x0  }
0xb7: {  	s3 =	rddreg [dreg:$0x2];
	[bflag:$0x3] =	sbarrier.arrive $0xFFFF;
	s2 =	simm.s32 @!p0 $0x1C03  }
0xb8: {  	[timem:s3], [sflag:s2] =	dma.local @!p0 [hbm:s0], s1  }
0xb9: {  	s0 =	simm.s32 @!p0 $0x3  }
0xba: {  	_ =	swait.ge @!p0 [sflag:s0], s1  }
0xbb: {  	s1 =	ssub.s32 @!p0 $0x0, s1;
	[sflag:s0] =	ssyncset.done @!p0 $0x0  }
0xbc: {  	[sflag:s0] =	ssyncadd.s32 @!p0 s1  }
0xbd: {  	[bflag:$0x3] =	sbarrier.arrive $0xFFFF  }
0xbe: {  	_ =	shalt  }

// kernel: sparse-core-data-format-call.cloned.1.call-start
scs
called_computation_lowered:
.L_overlay_start_0:
0x0: {  	s1 =	sld [smem:$0x3FD9]  }
0x1: {  	s2 =	sld [smem:$0x3FFE];
	_ =	sdelay $0x1  }
0x2: {  	s3 =	srdreg.scid  }
0x3: {  	s0 =	sand.u32 $0x1, s3  }
0x4: {  	s17 =	sshll.u32 s0, $0xA;
	s1 =	sadd.s32 s2, s1  }
0x5: {  	s1 =	sadd.s32 s1, s17  }
0x6: {  	[smem:$0x3FBD] =	sst s1  }
0x7: {  	_ = 	snop  }
0x8: {  	(tm) =	ssettm $0x1  }
0x9: {  	s18 =	sld [smem:$0x3FFB];
	_ =	sdelay $0x3  }
0xa: {  	_ =	strace s18  }
0xb: {  	s1 =	sld [smem:$0x3FFC];
	_ =	sdelay $0x3  }
0xc: {  	_ =	strace s1  }
0xd: {  	s1 =	sld [smem:$0x3FFD];
	_ =	sdelay $0x3  }
0xe: {  	_ =	strace s1  }
0xf: {  	_ =	strace $0x8FFFFFFF  }
0x10: {  	s19 =	sld [smem:$0x3FDB];
	_ =	sdelay $0x1  }
0x11: {  	s20 =	simm.s32 $_scs_section_size  }
0x12: {  	s4 =	simm.s32 $_size__tile_overlayer_lowered;
	s5 =	simm.s32 $_tile_overlayer_lowered  }
0x13: {  	s23 =	simm.s32 $0x1BFF;
	s22 =	sshll.u32 s5, $0x1;
	s1 =	sadd.s32 s20, s19  }
0x14: {  	s6 =	simm.s32 $0x0;
	s21 =	sshll.u32 s4, $0x1;
	s4 =	sadd.s32 s22, s1  }
0x15: {  	[timem:s6], [sflag:s23] =	dma.local [hbm:s4], s21  }
0x16: {  	_ =	swait.ge [sflag:s23], s21  }
0x17: {  	s2 =	ssub.s32 $0x0, s21;
	[sflag:s23] =	ssyncset.done $0x0  }
0x18: {  	[sflag:s23] =	ssyncadd.s32 s2;
	_ =	sdelay $0x1  }
0x19: {  	s24 =	simm.s32 $0x1B8B  }
0x1a: {  	_ =	swait.ge [sflag:s24], $0x1  }
0x1b: {  	[sflag:s24] =	ssyncset.done $0x0  }
0x1c: {  	s26 =	simm.s32 $0x1B8E;
	s25 =	sld [smem:$0x3FFE];
	[sflag:s24] =	ssyncadd.s32 $0xFFFFFFFF  }
0x1d: {  	s27 =	simm.s32 $execute0_lowered;
	[smem:$0x3FD2] =	sst s26  }
0x1e: {  	s4 =	sshll.u32 s27, $0x1;
	_ =	strace $0x80000046;
	[dreg:$0x1] =	wrdreg $0xFFFFFFFF  }
0x1f: {  	s28 =	simm.s32 $_size_execute0_lowered;
	s1 =	sadd.s32 s1, s4;
	[dreg:$0x0] =	wrdreg $0x0  }
0x20: {  	s4 =	sshll.u32 s28, $0x1;
	[dreg:$0x2] =	wrdreg s1  }
0x21: {  	[dreg:$0x3] =	wrdreg s4  }
0x22: {  	[dreg:$0x4] =	wrdreg $0xC0  }
0x23: {  	_ =	task [dreg:s6], $0x5FFFF  }
0x24: {  	[dreg:$0x1] =	wrdreg $0xFFFFFFFF  }
0x25: {  	[dreg:$0x0] =	wrdreg $0x60  }
0x26: {  	[dreg:$0x2] =	wrdreg s25  }
0x27: {  	[dreg:$0x3] =	wrdreg $0x9  }
0x28: {  	_ =	task.clear_ibuf [dreg:s6], $0x4FFFF;
	_ =	strace $0x90000046  }
0x29: {  	s29 =	simm.s32 $0x9;
	_ =	strace $0x80000048  }
0x2a: {  	_ =	swait.ge [sflag:s29], $0x1  }
0x2b: {  	[sflag:s29] =	ssyncadd.s32 $0xFFFFFFFF  }
0x2c: {  	_ =	strace $0x90000048  }
0x2d: {  	_ =	sfence  }
0x2e: {  	s30 =	sld [smem:$0x0];
	_ =	sdelay $0x2  }
0x2f: {  	s31 =	sshll.u32 s3, $0xD;
	s3 =	sshrl.u32 s3, $0x2  }
0x30: {  	s2 =	sand.u32 $0x4000, s31;
	s1 =	sadd.s32 s3, s30  }
0x31: {  	s0 =	sor.u32 s2, s0;
	s1 =	sshll.u32 s1, $0x11  }
0x32: {  	s0 =	sor.u32 s1, s0  }
0x33: {  	s0 =	sadd.s32 $0x8F2B, s0  }
0x34: {  	[sflag:s0] =	ssyncadd.remote.s32 $0x1  }
0x35: {  	_ =	sfence.sel $0xFFFF  }
0x36: {  	[dreg:$0x0] =	wrdreg $0xFFFFFFFF;
	(pc) =	sbr.abs _section_cstart, $3  }
0x37: {  	[dreg:$0x1] =	wrdreg $0xFFFFFFFF  }
0x38: {  	_ =	task.clear_ibuf [dreg:s6], $0x2FFFF;
	_ =	strace $0x9FFFFFFF  }
0x39: {  	(tm) =	ssettm $0x7FFFFFFF  }
tec
execute0_lowered:
.L_overlay_start_1:
0x0: {  	(tag) =	ssettag $0x1  }
0x1: {  	s3 =	rddreg [dreg:$0x0]  }
0x2: {  	s1 =	stileid.u32;
	s2 =	srdreg.scid  }
0x3: {  	s0 =	rddreg [dreg:$0x1];
	_ =	strace $0x80000047;
	s7 =	simm.s32 $0x2  }
0x4: {  	s14 =	simm.s32 $0x0;
	p0 =	por $0x0, $0x0;
	s9 =	simm.s32 $0x11FC00  }
0x5: {  	s13 =	simm.s32 $0x0;
	s4 =	sshll.u32 s1, $0x4;
	s5 =	sshll.u32 s2, $0x8  }
.Ltmp0:
0x6: {  	s12 =	simm.s32 $0x0;
	s4 =	sor.u32 s4, s5;
	(pc) =	sbr.rel .LBB1_1-.Ltmp0, $4  }
0x7: {  	s2 =	sadd.s32 $0xA7F000, s3;
	s5 =	simm.s32 $0x1;
	s4 =	sand.u32 $0x180, s4  }
0x8: {  	s3 =	sadd.s32 $0x800, s3;
	[sflag:s5] =	ssyncpa.u1 $0x0;
	s8 =	ssub.s32 $0x23F00, s4  }
0x9: {  	s6 =	sand.u32 $0x7, s1;
	[sflag:s7] =	ssyncpa.u1 $0x0;
	s7 =	sshrl.u32 s8, $0x9  }
0xa: {  	s11 =	smov.u32 s6;
	s10 =	smov.u32 s4;
	s8 =	sadd.s32 $0x2, s7  }
.LBB1_5:
0xb: {  	s15 =	sadd.s32 $0x200, s10  }
0xc: {  	s13 =	sadd.s32 $0x8, s11;
	s17 =	smov.u32 s11;
	p2 =	sgt.s32 s15, $0x23F6F  }
0xd: {  	s17 =	smov.u32 @p2 s13  }
0xe: {  	s15 =	smov.u32 @p2 s4;
	p2 =	sgt.s32 s17, $0x7  }
0xf: {  	s17 =	smov.u32 @p2 s6;
	p2 =	sne.s32 s12, s8  }
.Ltmp1:
0x10: {  	p1 =	slt.u32 s12, $0x2;
	(pc) =	sbr.rel @!p2 .LBB1_6-.Ltmp1, $4  }
0x11: {  	s16 =	simm.s32 @!p1 $0x2  }
0x12: {  	s14 =	smov.u32 s10;
	p0 =	por !p0, !p0;
	_ =	swait.ge @!p1 [sflag:s16], $0x1000  }
0x13: {  	s13 =	smov.u32 s11;
	[sflag:s16] =	ssyncset.done @!p1 $0x0;
	s10 =	smov.u32 s15  }
0x14: {  	s12 =	sadd.s32 $0x1, s12;
	[sflag:s16] =	ssyncadd.s32 @!p1 $0xFFFFF000;
	s11 =	smov.u32 s17  }
.LBB1_1:
0x15: {  	p1 =	sgt.u32 s12, s7  }
0x16: {  	s17 =	smov.u32 s11;
	s19 =	smov.u32 s10;
	p2 =	sgt.s32 @!p1 s11, $0x7  }
0x17: {  	s15 =	sand.u32 @!p1 $0x1FFFFFF, s10;
	s18 =	sshra.s32 @!p1 s11, $0x1F;
	p2 =	por !p2, p1  }
0x18: {  	s20 =	sshra.s32 @!p1 s10, $0x1F;
	s17 =	simm.s32 @p2 $0x7;
	p2 =	sgt.s32 @!p1 s10, $0x23EF0  }
0x19: {  	s16 =	smulhi.u32 @!p1 $0xE3C72B, s15;
	s18 =	sand.u32 @!p1 s18, s11;
	p2 =	por !p2, p1  }
0x1a: {  	s17 =	ssub.s32 @!p1 s17, s18;
	s18 =	sand.u32 @!p1 s20, s10;
	s19 =	simm.s32 @p2 $0x23EF0  }
0x1b: {  	s17 =	sadd.s32 @!p1 $0xFFFFFFF9, s17;
	s18 =	ssub.s32 @!p1 s19, s18  }
0x1c: {  	s16 =	sshrl.u32 @!p1 s16, $0x9;
	p2 =	sgt.s32 @!p1 s17, $0x0;
	s19 =	sadd.s32 @!p1 $0xFFFDC110, s18  }
0x1d: {  	s17 =	sshll.u32 @!p1 s17, $0x5;
	s18 =	ssub.s32 @!p1 $0x23F70, s18;
	p3 =	sgt.s32 @!p1 s19, $0x7F  }
0x1e: {  	s17 =	ssub.s32 @!p1 $0x20, s17;
	p2 =	por !p2, p1;
	p3 =	por !p3, p1  }
0x1f: {  	s16 =	smul.u32 @!p1 $0x23F70, s16;
	s17 =	simm.s32 @!p2 $0x0;
	s18 =	simm.s32 @!p3 $0x0  }
0x20: {  	s19 =	sxor.u32 @!p1 $0xFFFFFFFF, s12;
	s17 =	smul.u32 @!p1 s18, s17  }
0x21: {  	s15 =	ssub.s32 @!p1 s15, s16;
	s18 =	sshll.u32 @!p1 s19, $0xC;
	s19 =	smul.u32 @!p1 $0x23F700, s11  }
0x22: {  	s15 =	sshll.u32 @!p1 s15, $0x4  }
0x23: {  	s18 =	sand.u32 @!p1 $0x1000, s18;
	s16 =	sand.u32 @!p1 $0x3FFFFFE0, s17;
	s17 =	sadd.s32 @!p1 s2, s19  }
0x24: {  	s19 =	simm.s32 @!p1 $0x80;
	s15 =	sadd.s32 @!p1 s15, s17;
	s17 =	simm.s32 @!p1 $0x20  }
0x25: {  	[tilespmem:s18], [sflag:$0x1] =	stream.strided.gather @!p1 [hbm4b:s15+s17], s16, s19, s17, $0x38;
	[tilespmem:$0x4040] =	vst v63  }
0x26: {  	p1 =	seq.s32 s12, $0x0  }
0x27: {  	p2 =	sge.u32 @!p1 s12, s8  }
0x28: {  	p1 =	por p1, p2  }
.Ltmp2:
0x29: {  	_ = 	snop;
	(pc) =	sbr.rel @p1 .LBB1_5-.Ltmp2, $1  }
0x2a: {  	_ =	sdelay $0x3  }
0x2b: {  	p1 =	sgt.s32 s13, $0x7;
	s15 =	smov.u32 s13  }
0x2c: {  	s16 =	sshra.s32 s13, $0x1F;
	s17 =	smov.u32 s14;
	s18 =	sshra.s32 s14, $0x1F  }
0x2d: {  	s15 =	simm.s32 @!p1 $0x7;
	s16 =	sand.u32 s16, s13;
	p1 =	sgt.s32 s14, $0x23EF0  }
0x2e: {  	s27 =	sand.u32 s18, s14;
	s15 =	ssub.s32 s15, s16;
	s17 =	simm.s32 @!p1 $0x23EF0  }
0x2f: {  	s15 =	sadd.s32 $0xFFFFFFF9, s15;
	s16 =	ssub.s32 s17, s27  }
0x30: {  	p1 =	sgt.s32 s15, $0x0;
	s17 =	sadd.s32 $0xFFFDC110, s16;
	s15 =	sshll.u32 s15, $0x5  }
0x31: {  	s16 =	ssub.s32 $0x23F70, s16;
	p2 =	sgt.s32 s17, $0x7F;
	s15 =	ssub.s32 $0x20, s15  }
0x32: {  	s16 =	simm.s32 @p2 $0x0;
	s15 =	simm.s32 @p1 $0x0  }
0x33: {  	s15 =	smul.u32 s16, s15;
	_ =	sdelay $0x1  }
0x34: {  	s16 =	simm.s32 $0x1;
	s15 =	sand.u32 $0x3FFFFFE0, s15  }
0x35: {  	s16 =	simm.s32 @!p0 $0x0;
	_ =	swait.ge [sflag:s5], s15  }
0x36: {  	s28 =	sshll.u32 s16, $0xC;
	s15 =	ssub.s32 $0x0, s15;
	[sflag:s5] =	ssyncset.done $0x0  }
0x37: {  	s19 =	sor.u32 $0x10, s28;
	[sflag:s5] =	ssyncadd.s32 s15  }
0x38: {  	s29 =	smul.u32 $0x4080, s16;
	v1 =	vld [tilespmem:s19+$0x0]  }
0x39: {  	s30 =	sand.u32 $0x1, s12;
	v0 =	vld [tilespmem:s19+$0xFFFFFFF0]  }
0x3a: {  	s16 =	smul.u32 $0x4080, s30;
	s15 =	sshrl.u32 s29, $0x2  }
0x3b: {  	s17 =	sor.u32 $0x2000, s15  }
0x3c: {  	s31 =	sshrl.u32 s16, $0x2;
	s16 =	sadd.s32 $0x0, s17  }
0x3d: {  	s18 =	simm.s32 $0x4;
	s15 =	sor.u32 $0x2000, s31;
	s19 =	sadd.s32 $0x20, s19;
	[tilespmem:s16+$0x810 ss:$0x81] =	vst.msk $0xffff, v1  }
.LBB1_3:
0x3e: {  	v1 =	vld [tilespmem:s19+$0x0];
	p1 =	sne.s32 s18, $0x1FC;
	[tilespmem:s16+$0x0 ss:$0x81] =	vst.msk $0xffff, v0;
	s16 =	smov.u32 s18;
	s18 =	sadd.s32 $0x4, s18  }
.Ltmp3:
0x3f: {  	v0 =	vld [tilespmem:s19+$0xFFFFFFF0];
	(pc) =	sbr.rel @p1 .LBB1_3-.Ltmp3, $4  }
0x40: {  	_ = 	snop  }
0x41: {  	s16 =	sshra.s32 s16, $0x2  }
0x42: {  	s16 =	sadd.s32 s16, s17  }
0x43: {  	s19 =	sadd.s32 $0x20, s19;
	[tilespmem:s16+$0x810 ss:$0x81] =	vst.msk $0xffff, v1  }
0x44: {  	s17 =	sshll.u32 s14, $0x3  }
0x45: {  	s29 =	sand.u32 $0x7F, s14;
	s17 =	sand.u32 $0xFFFFFC00, s17  }
0x46: {  	s14 =	sor.u32 s29, s17;
	s17 =	smulhi.u32 $0xE3C0D585, s17  }
0x47: {  	s18 =	smulhi.u32 $0xE3C0D585, s14;
	_ =	sdelay $0x1  }
0x48: {  	s13 =	smul.u32 $0x8FE00, s13;
	s17 =	sshrl.u32 s17, $0x11;
	s18 =	sshrl.u32 s18, $0x11  }
0x49: {  	s17 =	sand.u32 $0x1F, s17;
	s18 =	smul.u32 $0x23F80, s18  }
0x4a: {  	s17 =	smul.u32 $0x47F0, s17  }
.Ltmp4:
0x4b: {  	s14 =	ssub.s32 s14, s18;
	(pc) =	sbr.rel .LBB1_5-.Ltmp4, $4  }
0x4c: {  	s13 =	sadd.s32 s3, s13;
	s18 =	sand.u32 $0x7, s14  }
0x4d: {  	s13 =	sadd.s32 s17, s13;
	s14 =	sshrl.u32 s14, $0x3;
	s30 =	sshll.u32 s18, $0x12  }
0x4e: {  	[tilespmem:s16+$0x0 ss:$0x81] =	vst.msk $0xffff, v0;
	s13 =	sadd.s32 s14, s13;
	s31 =	sor.u32 $0x400, s30  }
0x4f: {  	[hbm4b:s13+s31] =	stream.strided.scatter [tilespmem:s15], [sflag:$0x2], $0x1000, s9, s31, $0x20;
	[tilespmem:$0x4040] =	vst v63  }
.LBB1_6:
0x50: {  	_ =	sfence.sel $0x180000  }
0x51: {  	s2 =	simm.s32 $0x1;
	[bflag:$0x0] =	sbarrier.arrive $0xFFFF  }
0x52: {  	s31 =	simm.s32 $0x2;
	[sflag:s2] =	ssyncpa.u1 $0x1  }
0x53: {  	[sflag:s31] =	ssyncpa.u1 $0x1  }
0x54: {  	p0 =	sne.s32 s1, $0x0;
	_ =	strace $0x90000047  }
0x55: {  	s0 =	sadd.s32 @!p0 $0x100000, s0;
	[bflag:$0x2] =	sbarrier.arrive $0xFFFF  }
0x56: {  	[sflag:s0] =	ssyncadd.tile.s32 @!p0 $0x1;
	_ =	shalt  }
.Lfunc_end1:
_tile_overlayer_lowered:
.L_overlay_start_2:
0x57: {  	(tag) =	ssettag $0x2  }
0x58: {  	s0 =	rddreg [dreg:$0x0];
	s2 =	stileid.u32  }
0x59: {  	s1 =	rddreg [dreg:$0x1];
	p0 =	sne.s32 s2, $0x0  }
0x5a: {  	s3 =	rddreg [dreg:$0x2];
	[bflag:$0x3] =	sbarrier.arrive $0xFFFF;
	s2 =	simm.s32 @!p0 $0x1C01  }
0x5b: {  	[timem:s3], [sflag:s2] =	dma.local @!p0 [hbm:s0], s1  }
0x5c: {  	s0 =	simm.s32 @!p0 $0x1  }
0x5d: {  	_ =	swait.ge @!p0 [sflag:s0], s1  }
0x5e: {  	s1 =	ssub.s32 @!p0 $0x0, s1;
	[sflag:s0] =	ssyncset.done @!p0 $0x0  }
0x5f: {  	[sflag:s0] =	ssyncadd.s32 @!p0 s1  }
0x60: {  	[bflag:$0x3] =	sbarrier.arrive $0xFFFF  }
0x61: {  	_ =	shalt  }

</sc_bundles>
